<compile_context>
chip_gen: v7x
topology: tpu7x:2x2x1
jax: 0.10.2.dev20260603
libtpu: 0.0.44.dev20260713+nightly
codegen_flags: <defaults>
</compile_context>

<pallas_src>
import functools

import jax
import jax.numpy as jnp
from jax import lax
from jax.experimental import pallas as pl
from jax.experimental.pallas import tpu as pltpu
from jax.experimental.pallas import tpu_sc as plsc

B, N, M, K, CIN, COUT = 4, 16384, 4096, 16, 32, 32
EPS = 1e-5
R = B * M * K
MK = M * K

NC, NS = 2, 16
NW = NC * NS
IPW = R // NW
WPB = NW // B
CHUNK = 128
NCHUNK = IPW // CHUNK
NSLOT = 8

PBLK = 2048
CBLK = PBLK // K
GRID = MK // PBLK

_ERF_C = (0.7976951671394331, -0.13235113448832125, 0.01933003906485979,
          -0.0020965061023684663, 0.00016135125785942924,
          -8.203207474327787e-06, 2.4348881578518944e-07,
          -3.162766243347548e-09)


def _gelu(x):
    xc = jnp.clip(x, -4.0, 4.0)
    t = xc * xc
    p = jnp.float32(_ERF_C[7])
    for k in range(6, -1, -1):
        p = p * t + jnp.float32(_ERF_C[k])
    erf = jnp.clip(p * xc, -1.0, 1.0)
    return 0.5 * x * (1.0 + erf)


def _fold4(v):
    t = v[:, 0:32] + v[:, 32:64] + v[:, 64:96] + v[:, 96:128]
    return jnp.concatenate([t, t, t, t], axis=1)


def _dotT(a, b):
    return lax.dot_general(a, b, (((0,), (0,)), ((), ())),
                           preferred_element_type=jnp.float32)


def _sums(x, out_ref):
    ones = jnp.ones((1, x.shape[0]), jnp.float32)
    out_ref[0:1, :] += jnp.dot(ones, x, preferred_element_type=jnp.float32)
    out_ref[1:2, :] += jnp.dot(ones, x * x,
                               preferred_element_type=jnp.float32)



def _proj_u_kernel(posT_ref, featT_ref, w1a_ref, w1b_ref, u_ref):
    cols = []
    for b in range(B):
        cols.append(_dotT(posT_ref[b], w1a_ref[...])
                    + _dotT(featT_ref[b], w1b_ref[...]))
    u_ref[...] = jnp.concatenate(cols, axis=1)


def _proj_c_kernel(cposT_ref, cfT_ref, w1a_ref, eye_ref, b1_ref, c_ref,
                   cf_ref):
    ccols = []
    fcols = []
    for b in range(B):
        ccols.append(b1_ref[...] - _dotT(cposT_ref[b], w1a_ref[...]))
        fcols.append(_dotT(cfT_ref[b], eye_ref[...]))
    c_ref[...] = jnp.concatenate(ccols, axis=1)
    cf_ref[...] = jnp.concatenate(fcols, axis=1)



def _sc_gather(u_rows, idx_flat):
    mesh = plsc.VectorSubcoreMesh(core_axis_name="c", subcore_axis_name="s")

    @functools.partial(
        pl.kernel,
        out_type=jax.ShapeDtypeStruct((MK, B * COUT), jnp.float32),
        mesh=mesh,
        scratch_types=(
            [pltpu.VMEM((IPW,), jnp.int32)]
            + [pltpu.VMEM((CHUNK, COUT), jnp.float32) for _ in range(NSLOT)]
            + [pltpu.SemaphoreType.DMA for _ in range(2 * NSLOT)]
        ),
        compiler_params=pltpu.CompilerParams(use_tc_tiling_on_sc=False),
    )
    def k(u_hbm, idx_hbm, g_hbm, idx_v, *rest):
        bufs = rest[:NSLOT]
        gsem = rest[NSLOT:2 * NSLOT]
        wsem = rest[2 * NSLOT:]
        wid = lax.axis_index("s") * NC + lax.axis_index("c")
        base = wid * IPW
        b = wid // WPB
        lbase = base - b * MK
        lane0 = b * COUT
        pltpu.sync_copy(idx_hbm.at[pl.ds(base, IPW)], idx_v)

        def g_dst(j):
            return g_hbm.at[pl.ds(lbase + j * CHUNK, CHUNK),
                            pl.ds(lane0, COUT)]

        def fire(s, j):
            pltpu.async_copy(
                u_hbm.at[idx_v.at[pl.ds(j * CHUNK, CHUNK)]], bufs[s], gsem[s])

        def gwait(s):
            pltpu.make_async_copy(
                u_hbm.at[idx_v.at[pl.ds(0, CHUNK)]], bufs[s], gsem[s]).wait()

        def wfire(s, j):
            pltpu.async_copy(bufs[s], g_dst(j), wsem[s])

        def wwait(s):
            pltpu.make_async_copy(bufs[s], g_dst(0), wsem[s]).wait()

        for s in range(NSLOT):
            fire(s, s)

        def body(t, _):
            for s in range(NSLOT):
                gwait(s)
                wfire(s, NSLOT * t + s)
            for s in range(NSLOT):
                wwait(s)
                fire(s, NSLOT * (t + 1) + s)
            return 0

        lax.fori_loop(0, NCHUNK // NSLOT - 1, body, 0)

        for s in range(NSLOT):
            gwait(s)
            wfire(s, NCHUNK - NSLOT + s)
        for s in range(NSLOT):
            wwait(s)

    return k(u_rows, idx_flat)



def _c_packed(c_ref):
    c = c_ref[...]
    return jnp.broadcast_to(c[:, None, :], (CBLK, K, 128)).reshape(PBLK, 128)


def _bn_coefs(stats_ref, gamma, beta):
    s = _fold4(stats_ref[0:1, :])
    q = _fold4(stats_ref[1:2, :])
    mean = s * (1.0 / R)
    var = q * (1.0 / R) - mean * mean
    a = gamma * lax.rsqrt(var + EPS)
    c = beta - mean * a
    return a, c



def _stats1_kernel(g_ref, c_ref, out_ref):
    i = pl.program_id(0)

    @pl.when(i == 0)
    def _():
        out_ref[...] = jnp.zeros_like(out_ref)

    h = g_ref[...] + _c_packed(c_ref)
    _sums(h, out_ref)



def _stats2_kernel(g_ref, c_ref, stats1_ref, vecs_ref, w2bd_ref, y_ref,
                   out_ref):
    i = pl.program_id(0)

    @pl.when(i == 0)
    def _():
        out_ref[...] = jnp.zeros_like(out_ref)

    a1, c1 = _bn_coefs(stats1_ref, vecs_ref[1:2, :], vecs_ref[2:3, :])
    cc = a1 * c_ref[...] + c1
    ccr = jnp.broadcast_to(cc[:, None, :], (CBLK, K, 128)).reshape(PBLK, 128)
    u = _gelu(a1 * g_ref[...] + ccr)
    y = jnp.dot(u, w2bd_ref[...], preferred_element_type=jnp.float32)
    y = y + vecs_ref[3:4, :]
    y_ref[...] = y
    _sums(y, out_ref)



def _final_kernel(y_ref, stats2_ref, vecs_ref, cf_ref, out_ref):
    a2, c2 = _bn_coefs(stats2_ref, vecs_ref[4:5, :], vecs_ref[5:6, :])
    y = y_ref[...].reshape(CBLK, K, 128)
    ymx = jnp.max(y, axis=1)
    ymn = jnp.min(y, axis=1)
    va = a2 * ymx + c2
    vb = a2 * ymn + c2
    m1 = jnp.maximum(va, vb)
    m0 = jnp.minimum(va, vb)
    out_ref[...] = jnp.maximum(_gelu(m1), _gelu(m0)) + cf_ref[...]



def _block_diag4(w):
    bd = jnp.zeros((128, 128), jnp.float32)
    for t in range(4):
        bd = bd.at[t * 32:(t + 1) * 32, t * 32:(t + 1) * 32].set(w)
    return bd


def _tile4(v):
    return jnp.tile(v.reshape(1, COUT), (1, 4)).reshape(128)


def kernel(feat, pos, center_feat, center_pos, knn_idx, W1, b1, g1, be1,
           W2, b2, g2, be2):
    f32 = jnp.float32
    w1a3 = W1[:, :3].T
    w2bd = _block_diag4(W2.T)
    b1r = b1.reshape(1, COUT)
    eye = jnp.eye(COUT, dtype=f32)
    vecs = jnp.zeros((8, 128), f32)
    vecs = vecs.at[1, :].set(_tile4(g1)).at[2, :].set(_tile4(be1))
    vecs = vecs.at[3, :].set(_tile4(b2))
    vecs = vecs.at[4, :].set(_tile4(g2)).at[5, :].set(_tile4(be2))

    posT = pos.transpose(0, 2, 1)
    featT = feat.transpose(0, 2, 1)
    cposT = center_pos.transpose(0, 2, 1)
    cfT = center_feat.transpose(0, 2, 1)

    idx_flat = (knn_idx * 4 + jnp.arange(B, dtype=jnp.int32)[:, None, None]
                ).reshape(R)

    ublk = 2048
    u_packed = pl.pallas_call(
        _proj_u_kernel,
        grid=(N // ublk,),
        in_specs=[
            pl.BlockSpec((B, 3, ublk), lambda j: (0, 0, j)),
            pl.BlockSpec((B, CIN, ublk), lambda j: (0, 0, j)),
            pl.BlockSpec((3, COUT), lambda j: (0, 0)),
            pl.BlockSpec((CIN, COUT), lambda j: (0, 0)),
        ],
        out_specs=pl.BlockSpec((ublk, B * COUT), lambda j: (j, 0)),
        out_shape=jax.ShapeDtypeStruct((N, B * COUT), f32),
    )(posT, featT, w1a3, W1[:, 3:].T)

    c_tab, cf_packed = pl.pallas_call(
        _proj_c_kernel,
        grid=(M // ublk,),
        in_specs=[
            pl.BlockSpec((B, 3, ublk), lambda j: (0, 0, j)),
            pl.BlockSpec((B, COUT, ublk), lambda j: (0, 0, j)),
            pl.BlockSpec((3, COUT), lambda j: (0, 0)),
            pl.BlockSpec((COUT, COUT), lambda j: (0, 0)),
            pl.BlockSpec((1, COUT), lambda j: (0, 0)),
        ],
        out_specs=[pl.BlockSpec((ublk, B * COUT), lambda j: (j, 0)),
                   pl.BlockSpec((ublk, B * COUT), lambda j: (j, 0))],
        out_shape=[jax.ShapeDtypeStruct((M, B * COUT), f32),
                   jax.ShapeDtypeStruct((M, B * COUT), f32)],
    )(cposT, cfT, w1a3, eye, b1r)

    g_packed = _sc_gather(u_packed.reshape(B * N, COUT), idx_flat)

    g_spec = pl.BlockSpec((PBLK, 128), lambda i: (i, 0))
    c_spec = pl.BlockSpec((CBLK, 128), lambda i: (i, 0))
    full8 = pl.BlockSpec((8, 128), lambda i: (0, 0))
    w_spec = pl.BlockSpec((128, 128), lambda i: (0, 0))
    acc_spec = pl.BlockSpec((8, 128), lambda i: (0, 0))

    stats1 = pl.pallas_call(
        _stats1_kernel,
        grid=(GRID,),
        in_specs=[g_spec, c_spec],
        out_specs=acc_spec,
        out_shape=jax.ShapeDtypeStruct((8, 128), f32),
    )(g_packed, c_tab)

    y_packed, stats2 = pl.pallas_call(
        _stats2_kernel,
        grid=(GRID,),
        in_specs=[g_spec, c_spec, full8, full8, w_spec],
        out_specs=[g_spec, acc_spec],
        out_shape=[jax.ShapeDtypeStruct((MK, 128), f32),
                   jax.ShapeDtypeStruct((8, 128), f32)],
    )(g_packed, c_tab, stats1, vecs, w2bd)

    out_packed = pl.pallas_call(
        _final_kernel,
        grid=(GRID,),
        in_specs=[g_spec, full8, full8, c_spec],
        out_specs=pl.BlockSpec((CBLK, 128), lambda i: (i, 0)),
        out_shape=jax.ShapeDtypeStruct((M, B * COUT), f32),
    )(y_packed, stats2, vecs, cf_packed)

    return out_packed.reshape(M, B, COUT).transpose(1, 0, 2)

# --- scband reference (transcript-rebuilt; emitter-appended) ---
"""Pipeline reference for scband-local-agg-39324720562662 (READ-ONLY COPY).

The authoritative reference and input builder live on the scoring server;
editing this copy changes nothing except your own understanding.
"""

import jax, jax.numpy as jnp
import numpy as np

B, N, M, K, CIN, COUT = 4, 16384, 4096, 16, 32, 32
EPS = 1e-5


def _gather(feat, idx):
    # feat: (B, N, C), idx: (B, M, K) -> (B, M, K, C)
    Bb, Mm, Kk = idx.shape
    C = feat.shape[-1]
    idx_flat = idx.reshape(Bb, Mm * Kk)
    idx_exp = jnp.broadcast_to(idx_flat[:, :, None], (Bb, Mm * Kk, C))
    out = jnp.take_along_axis(feat, idx_exp, axis=1)
    return out.reshape(Bb, Mm, Kk, C)


def _bn(x, gamma, beta):
    # training-mode BatchNorm1d over flattened batch dim, biased variance
    mean = jnp.mean(x, axis=0)
    var = jnp.var(x, axis=0)
    return gamma * (x - mean) / jnp.sqrt(var + EPS) + beta


def setup_inputs(seed: int = 0):
    key = jax.random.key(seed)
    ks = jax.random.split(key, 8)
    feat = jax.random.normal(ks[0], (B, N, CIN), dtype=jnp.float32)
    pos = jax.random.uniform(ks[1], (B, N, 3), dtype=jnp.float32)
    center_feat = jax.random.normal(ks[2], (B, M, CIN), dtype=jnp.float32)
    center_pos = jax.random.uniform(ks[3], (B, M, 3), dtype=jnp.float32)
    knn_idx = jax.random.randint(ks[4], (B, M, K), 0, N, dtype=jnp.int32)
    lin = 3 + CIN
    W1 = jax.random.normal(ks[5], (COUT, lin), dtype=jnp.float32) / np.sqrt(lin)
    b1 = jnp.zeros((COUT,), dtype=jnp.float32)
    g1 = jnp.ones((COUT,), dtype=jnp.float32)
    be1 = jnp.zeros((COUT,), dtype=jnp.float32)
    W2 = jax.random.normal(ks[6], (COUT, COUT), dtype=jnp.float32) / np.sqrt(COUT)
    b2 = jnp.zeros((COUT,), dtype=jnp.float32)
    g2 = jnp.ones((COUT,), dtype=jnp.float32)
    be2 = jnp.zeros((COUT,), dtype=jnp.float32)
    return {"feat": feat, "pos": pos, "center_feat": center_feat, "center_pos": center_pos,
            "knn_idx": knn_idx, "W1": W1, "b1": b1, "g1": g1, "be1": be1,
            "W2": W2, "b2": b2, "g2": g2, "be2": be2}


def reference(feat, pos, center_feat, center_pos, knn_idx, W1, b1, g1, be1, W2, b2, g2, be2):
    Bb, Mm, Kk = knn_idx.shape
    nbr_pos = _gather(pos, knn_idx)          # (B, M, K, 3)
    nbr_feat = _gather(feat, knn_idx)        # (B, M, K, CIN)
    delta_xyz = nbr_pos - center_pos[:, :, None, :]
    local_in = jnp.concatenate([delta_xyz, nbr_feat], axis=-1)  # (B, M, K, 3+CIN)
    flat = local_in.reshape(Bb * Mm * Kk, 3 + CIN)
    h = flat @ W1.T + b1
    h = jax.nn.gelu(_bn(h, g1, be1), approximate=False)
    h = h @ W2.T + b2
    h = jax.nn.gelu(_bn(h, g2, be2), approximate=False)
    agg = h.reshape(Bb, Mm, Kk, COUT).max(axis=2)
    # skip is Identity since in_channels == out_channels
    return agg + center_feat

if __name__ == "__main__":
    import jax
    _d = setup_inputs()
    print(jax.jit(kernel)(*tuple(_d.values())))

</pallas_src>

<mosaic_0001>
#map = affine_map<(d0, d1) -> (0, 0)>
#map1 = affine_map<(d0, d1) -> (0)>
module attributes {stable_mosaic.version = 14 : i64} {
  func.func @k(%arg0: i32, %arg1: i32, %arg2: memref<65536x32xf32, #tpu.memory_space<hbm>>, %arg3: memref<262144xi32, #tpu.memory_space<hbm>>, %arg4: memref<65536x128xf32, #tpu.memory_space<hbm>>, %arg5: memref<8192xi32, #tpu.memory_space<vmem>>, %arg6: memref<128x32xf32, #tpu.memory_space<vmem>>, %arg7: memref<128x32xf32, #tpu.memory_space<vmem>>, %arg8: memref<128x32xf32, #tpu.memory_space<vmem>>, %arg9: memref<128x32xf32, #tpu.memory_space<vmem>>, %arg10: memref<128x32xf32, #tpu.memory_space<vmem>>, %arg11: memref<128x32xf32, #tpu.memory_space<vmem>>, %arg12: memref<128x32xf32, #tpu.memory_space<vmem>>, %arg13: memref<128x32xf32, #tpu.memory_space<vmem>>, %arg14: memref<!tpu.dma_semaphore, #tpu.memory_space<semaphore_mem>>, %arg15: memref<!tpu.dma_semaphore, #tpu.memory_space<semaphore_mem>>, %arg16: memref<!tpu.dma_semaphore, #tpu.memory_space<semaphore_mem>>, %arg17: memref<!tpu.dma_semaphore, #tpu.memory_space<semaphore_mem>>, %arg18: memref<!tpu.dma_semaphore, #tpu.memory_space<semaphore_mem>>, %arg19: memref<!tpu.dma_semaphore, #tpu.memory_space<semaphore_mem>>, %arg20: memref<!tpu.dma_semaphore, #tpu.memory_space<semaphore_mem>>, %arg21: memref<!tpu.dma_semaphore, #tpu.memory_space<semaphore_mem>>, %arg22: memref<!tpu.dma_semaphore, #tpu.memory_space<semaphore_mem>>, %arg23: memref<!tpu.dma_semaphore, #tpu.memory_space<semaphore_mem>>, %arg24: memref<!tpu.dma_semaphore, #tpu.memory_space<semaphore_mem>>, %arg25: memref<!tpu.dma_semaphore, #tpu.memory_space<semaphore_mem>>, %arg26: memref<!tpu.dma_semaphore, #tpu.memory_space<semaphore_mem>>, %arg27: memref<!tpu.dma_semaphore, #tpu.memory_space<semaphore_mem>>, %arg28: memref<!tpu.dma_semaphore, #tpu.memory_space<semaphore_mem>>, %arg29: memref<!tpu.dma_semaphore, #tpu.memory_space<semaphore_mem>>) attributes {dimension_semantics = [#tpu.dimension_semantics<core_parallel>, #tpu.dimension_semantics<subcore_parallel>], iteration_bounds = array<i64: 2, 16>, scalar_prefetch = 0 : i64, scratch_operands = 25 : i64, tpu.core_type = #tpu.core_type<sc_vector_subcore>, window_params = [{transform_indices = #map}, {transform_indices = #map1}, {transform_indices = #map}]} {
    %mul3A = arith.constant 2 : i32
    %mul3A_0 = arith.muli %arg1, %mul3A : i32
    %add3A = arith.addi %mul3A_0, %arg0 : i32
    %mul3A_1 = arith.constant 8192 : i32
    %mul3A_2 = arith.muli %add3A, %mul3A_1 : i32
    %jit3A = arith.constant 8 : i32
    %div3A = arith.divsi %add3A, %jit3A : i32
    %sign3A = arith.constant 0 : i32
    %sign3A_3 = arith.cmpi sgt, %add3A, %sign3A : i32
    %sign3A_4 = arith.extui %sign3A_3 : i1 to i32
    %sign3A_5 = arith.constant 0 : i32
    %sign3A_6 = arith.cmpi slt, %add3A, %sign3A_5 : i32
    %sign3A_7 = arith.extui %sign3A_6 : i1 to i32
    %sign3A_8 = arith.subi %sign3A_4, %sign3A_7 : i32
    %sign3A_9 = arith.constant 0 : i32
    %sign3A_10 = arith.cmpi sgt, %jit3A, %sign3A_9 : i32
    %sign3A_11 = arith.extui %sign3A_10 : i1 to i32
    %sign3A_12 = arith.constant 0 : i32
    %sign3A_13 = arith.cmpi slt, %jit3A, %sign3A_12 : i32
    %sign3A_14 = arith.extui %sign3A_13 : i1 to i32
    %sign3A_15 = arith.subi %sign3A_11, %sign3A_14 : i32
    %ne3A = arith.cmpi ne, %sign3A_8, %sign3A_15 : i32
    %rem3A = arith.remsi %add3A, %jit3A : i32
    %ne3A_16 = arith.constant 0 : i32
    %ne3A_17 = arith.cmpi ne, %rem3A, %ne3A_16 : i32
    %and3A = arith.andi %ne3A, %ne3A_17 : i1
    %sub3A = arith.constant 1 : i32
    %sub3A_18 = arith.subi %div3A, %sub3A : i32
    %select_n3A = arith.select %and3A, %sub3A_18, %div3A : i32
    %mul3A_19 = arith.constant 65536 : i32
    %mul3A_20 = arith.muli %select_n3A, %mul3A_19 : i32
    %sub3A_21 = arith.subi %mul3A_2, %mul3A_20 : i32
    %mul3A_22 = arith.constant 32 : i32
    %mul3A_23 = arith.muli %select_n3A, %mul3A_22 : i32
    "tpu.region"() ({
      %run_scoped3A = tpu.sem_alloc : memref<!tpu.dma_semaphore, #tpu.memory_space<semaphore_mem>>
      %dma_start3A_172 = tpu.memref_slice %arg3[%mul3A_2] : memref<262144xi32, #tpu.memory_space<hbm>> -> memref<8192xi32, #tpu.memory_space<hbm>>
      %dma_start3A_173 = tpu.memref_slice %arg3[%mul3A_2] : memref<262144xi32, #tpu.memory_space<hbm>> -> memref<8192xi32, #tpu.memory_space<hbm>>
      tpu.enqueue_dma source(%dma_start3A_173 : memref<8192xi32, #tpu.memory_space<hbm>>) target(%arg5 : memref<8192xi32, #tpu.memory_space<vmem>>) target_semaphore(%run_scoped3A : memref<!tpu.dma_semaphore, #tpu.memory_space<semaphore_mem>>)
      %dma_wait3A_174 = tpu.memref_slice %arg3[%mul3A_2] : memref<262144xi32, #tpu.memory_space<hbm>> -> memref<8192xi32, #tpu.memory_space<hbm>>
      %dma_wait3A_175 = tpu.memref_slice %arg3[%mul3A_2] : memref<262144xi32, #tpu.memory_space<hbm>> -> memref<8192xi32, #tpu.memory_space<hbm>>
      tpu.wait_dma2 semaphore(%run_scoped3A : memref<!tpu.dma_semaphore, #tpu.memory_space<semaphore_mem>>) src(%dma_wait3A_175 : memref<8192xi32, #tpu.memory_space<hbm>>) dst(%arg5 : memref<8192xi32, #tpu.memory_space<vmem>>)
      tpu.yield
    }) : () -> ()
    %dma_start3A = arith.constant 0 : i32
    %dma_start3A_24 = tpu.memref_slice %arg5[%dma_start3A] : memref<8192xi32, #tpu.memory_space<vmem>> -> memref<128xi32, #tpu.memory_space<vmem>>
    %dma_start3A_25 = arith.constant 0 : i32
    %dma_start3A_26 = arith.constant 0 : i32
    %dma_start3A_27 = tpu.memref_slice %arg2[%dma_start3A_25, %dma_start3A_26] : memref<65536x32xf32, #tpu.memory_space<hbm>> -> memref<65536x32xf32, #tpu.memory_space<hbm>>
    tpu.enqueue_indirect_dma source(%dma_start3A_27 : memref<65536x32xf32, #tpu.memory_space<hbm>>) target(%arg6 : memref<128x32xf32, #tpu.memory_space<vmem>>) offsets(%dma_start3A_24 : memref<128xi32, #tpu.memory_space<vmem>>) semaphore(%arg14 : memref<!tpu.dma_semaphore, #tpu.memory_space<semaphore_mem>>)
    %dma_start3A_28 = arith.constant 128 : i32
    %dma_start3A_29 = tpu.memref_slice %arg5[%dma_start3A_28] : memref<8192xi32, #tpu.memory_space<vmem>> -> memref<128xi32, #tpu.memory_space<vmem>>
    %dma_start3A_30 = arith.constant 0 : i32
    %dma_start3A_31 = arith.constant 0 : i32
    %dma_start3A_32 = tpu.memref_slice %arg2[%dma_start3A_30, %dma_start3A_31] : memref<65536x32xf32, #tpu.memory_space<hbm>> -> memref<65536x32xf32, #tpu.memory_space<hbm>>
    tpu.enqueue_indirect_dma source(%dma_start3A_32 : memref<65536x32xf32, #tpu.memory_space<hbm>>) target(%arg7 : memref<128x32xf32, #tpu.memory_space<vmem>>) offsets(%dma_start3A_29 : memref<128xi32, #tpu.memory_space<vmem>>) semaphore(%arg15 : memref<!tpu.dma_semaphore, #tpu.memory_space<semaphore_mem>>)
    %dma_start3A_33 = arith.constant 256 : i32
    %dma_start3A_34 = tpu.memref_slice %arg5[%dma_start3A_33] : memref<8192xi32, #tpu.memory_space<vmem>> -> memref<128xi32, #tpu.memory_space<vmem>>
    %dma_start3A_35 = arith.constant 0 : i32
    %dma_start3A_36 = arith.constant 0 : i32
    %dma_start3A_37 = tpu.memref_slice %arg2[%dma_start3A_35, %dma_start3A_36] : memref<65536x32xf32, #tpu.memory_space<hbm>> -> memref<65536x32xf32, #tpu.memory_space<hbm>>
    tpu.enqueue_indirect_dma source(%dma_start3A_37 : memref<65536x32xf32, #tpu.memory_space<hbm>>) target(%arg8 : memref<128x32xf32, #tpu.memory_space<vmem>>) offsets(%dma_start3A_34 : memref<128xi32, #tpu.memory_space<vmem>>) semaphore(%arg16 : memref<!tpu.dma_semaphore, #tpu.memory_space<semaphore_mem>>)
    %dma_start3A_38 = arith.constant 384 : i32
    %dma_start3A_39 = tpu.memref_slice %arg5[%dma_start3A_38] : memref<8192xi32, #tpu.memory_space<vmem>> -> memref<128xi32, #tpu.memory_space<vmem>>
    %dma_start3A_40 = arith.constant 0 : i32
    %dma_start3A_41 = arith.constant 0 : i32
    %dma_start3A_42 = tpu.memref_slice %arg2[%dma_start3A_40, %dma_start3A_41] : memref<65536x32xf32, #tpu.memory_space<hbm>> -> memref<65536x32xf32, #tpu.memory_space<hbm>>
    tpu.enqueue_indirect_dma source(%dma_start3A_42 : memref<65536x32xf32, #tpu.memory_space<hbm>>) target(%arg9 : memref<128x32xf32, #tpu.memory_space<vmem>>) offsets(%dma_start3A_39 : memref<128xi32, #tpu.memory_space<vmem>>) semaphore(%arg17 : memref<!tpu.dma_semaphore, #tpu.memory_space<semaphore_mem>>)
    %dma_start3A_43 = arith.constant 512 : i32
    %dma_start3A_44 = tpu.memref_slice %arg5[%dma_start3A_43] : memref<8192xi32, #tpu.memory_space<vmem>> -> memref<128xi32, #tpu.memory_space<vmem>>
    %dma_start3A_45 = arith.constant 0 : i32
    %dma_start3A_46 = arith.constant 0 : i32
    %dma_start3A_47 = tpu.memref_slice %arg2[%dma_start3A_45, %dma_start3A_46] : memref<65536x32xf32, #tpu.memory_space<hbm>> -> memref<65536x32xf32, #tpu.memory_space<hbm>>
    tpu.enqueue_indirect_dma source(%dma_start3A_47 : memref<65536x32xf32, #tpu.memory_space<hbm>>) target(%arg10 : memref<128x32xf32, #tpu.memory_space<vmem>>) offsets(%dma_start3A_44 : memref<128xi32, #tpu.memory_space<vmem>>) semaphore(%arg18 : memref<!tpu.dma_semaphore, #tpu.memory_space<semaphore_mem>>)
    %dma_start3A_48 = arith.constant 640 : i32
    %dma_start3A_49 = tpu.memref_slice %arg5[%dma_start3A_48] : memref<8192xi32, #tpu.memory_space<vmem>> -> memref<128xi32, #tpu.memory_space<vmem>>
    %dma_start3A_50 = arith.constant 0 : i32
    %dma_start3A_51 = arith.constant 0 : i32
    %dma_start3A_52 = tpu.memref_slice %arg2[%dma_start3A_50, %dma_start3A_51] : memref<65536x32xf32, #tpu.memory_space<hbm>> -> memref<65536x32xf32, #tpu.memory_space<hbm>>
    tpu.enqueue_indirect_dma source(%dma_start3A_52 : memref<65536x32xf32, #tpu.memory_space<hbm>>) target(%arg11 : memref<128x32xf32, #tpu.memory_space<vmem>>) offsets(%dma_start3A_49 : memref<128xi32, #tpu.memory_space<vmem>>) semaphore(%arg19 : memref<!tpu.dma_semaphore, #tpu.memory_space<semaphore_mem>>)
    %dma_start3A_53 = arith.constant 768 : i32
    %dma_start3A_54 = tpu.memref_slice %arg5[%dma_start3A_53] : memref<8192xi32, #tpu.memory_space<vmem>> -> memref<128xi32, #tpu.memory_space<vmem>>
    %dma_start3A_55 = arith.constant 0 : i32
    %dma_start3A_56 = arith.constant 0 : i32
    %dma_start3A_57 = tpu.memref_slice %arg2[%dma_start3A_55, %dma_start3A_56] : memref<65536x32xf32, #tpu.memory_space<hbm>> -> memref<65536x32xf32, #tpu.memory_space<hbm>>
    tpu.enqueue_indirect_dma source(%dma_start3A_57 : memref<65536x32xf32, #tpu.memory_space<hbm>>) target(%arg12 : memref<128x32xf32, #tpu.memory_space<vmem>>) offsets(%dma_start3A_54 : memref<128xi32, #tpu.memory_space<vmem>>) semaphore(%arg20 : memref<!tpu.dma_semaphore, #tpu.memory_space<semaphore_mem>>)
    %dma_start3A_58 = arith.constant 896 : i32
    %dma_start3A_59 = tpu.memref_slice %arg5[%dma_start3A_58] : memref<8192xi32, #tpu.memory_space<vmem>> -> memref<128xi32, #tpu.memory_space<vmem>>
    %dma_start3A_60 = arith.constant 0 : i32
    %dma_start3A_61 = arith.constant 0 : i32
    %dma_start3A_62 = tpu.memref_slice %arg2[%dma_start3A_60, %dma_start3A_61] : memref<65536x32xf32, #tpu.memory_space<hbm>> -> memref<65536x32xf32, #tpu.memory_space<hbm>>
    tpu.enqueue_indirect_dma source(%dma_start3A_62 : memref<65536x32xf32, #tpu.memory_space<hbm>>) target(%arg13 : memref<128x32xf32, #tpu.memory_space<vmem>>) offsets(%dma_start3A_59 : memref<128xi32, #tpu.memory_space<vmem>>) semaphore(%arg21 : memref<!tpu.dma_semaphore, #tpu.memory_space<semaphore_mem>>)
    %scan3A = arith.constant 0 : i32
    %scan3A_63 = arith.constant 0 : i32
    %scan3A_64 = arith.constant 7 : i32
    %scan3A_65 = arith.addi %scan3A_63, %scan3A_64 : i32
    %scan3A_66 = arith.constant 1 : i32
    %scan3A_67 = scf.for %scan3A_172 = %scan3A_63 to %scan3A_65 step %scan3A_66 iter_args(%scan3A_173 = %scan3A) -> (i32)  : i32 {
      %dma_wait3A_174 = arith.constant 0 : i32
      %dma_wait3A_175 = tpu.memref_slice %arg5[%dma_wait3A_174] : memref<8192xi32, #tpu.memory_space<vmem>> -> memref<128xi32, #tpu.memory_space<vmem>>
      %dma_wait3A_176 = arith.constant 0 : i32
      %dma_wait3A_177 = arith.constant 0 : i32
      %dma_wait3A_178 = tpu.memref_slice %arg2[%dma_wait3A_176, %dma_wait3A_177] : memref<65536x32xf32, #tpu.memory_space<hbm>> -> memref<65536x32xf32, #tpu.memory_space<hbm>>
      tpu.wait_indirect_dma semaphore(%arg14 : memref<!tpu.dma_semaphore, #tpu.memory_space<semaphore_mem>>) src(%dma_wait3A_178 : memref<65536x32xf32, #tpu.memory_space<hbm>>) dst(%arg6 : memref<128x32xf32, #tpu.memory_space<vmem>>)
      %mul3A_179 = arith.constant 8 : i32
      %mul3A_180 = arith.muli %mul3A_179, %scan3A_172 : i32
      %add3A_181 = arith.constant 0 : i32
      %add3A_182 = arith.addi %mul3A_180, %add3A_181 : i32
      %mul3A_183 = arith.constant 128 : i32
      %mul3A_184 = arith.muli %add3A_182, %mul3A_183 : i32
      %add3A_185 = arith.addi %sub3A_21, %mul3A_184 : i32
      %dma_start3A_186 = tpu.memref_slice %arg4[%add3A_185, %mul3A_23] : memref<65536x128xf32, #tpu.memory_space<hbm>> -> memref<128x32xf32, #tpu.memory_space<hbm>>
      %dma_start3A_187 = tpu.memref_slice %arg4[%add3A_185, %mul3A_23] : memref<65536x128xf32, #tpu.memory_space<hbm>> -> memref<128x32xf32, #tpu.memory_space<hbm>>
      tpu.enqueue_dma source(%arg6 : memref<128x32xf32, #tpu.memory_space<vmem>>) target(%dma_start3A_187 : memref<128x32xf32, #tpu.memory_space<hbm>>) target_semaphore(%arg22 : memref<!tpu.dma_semaphore, #tpu.memory_space<semaphore_mem>>)
      %dma_wait3A_188 = arith.constant 0 : i32
      %dma_wait3A_189 = tpu.memref_slice %arg5[%dma_wait3A_188] : memref<8192xi32, #tpu.memory_space<vmem>> -> memref<128xi32, #tpu.memory_space<vmem>>
      %dma_wait3A_190 = arith.constant 0 : i32
      %dma_wait3A_191 = arith.constant 0 : i32
      %dma_wait3A_192 = tpu.memref_slice %arg2[%dma_wait3A_190, %dma_wait3A_191] : memref<65536x32xf32, #tpu.memory_space<hbm>> -> memref<65536x32xf32, #tpu.memory_space<hbm>>
      tpu.wait_indirect_dma semaphore(%arg15 : memref<!tpu.dma_semaphore, #tpu.memory_space<semaphore_mem>>) src(%dma_wait3A_192 : memref<65536x32xf32, #tpu.memory_space<hbm>>) dst(%arg7 : memref<128x32xf32, #tpu.memory_space<vmem>>)
      %mul3A_193 = arith.constant 8 : i32
      %mul3A_194 = arith.muli %mul3A_193, %scan3A_172 : i32
      %add3A_195 = arith.constant 1 : i32
      %add3A_196 = arith.addi %mul3A_194, %add3A_195 : i32
      %mul3A_197 = arith.constant 128 : i32
      %mul3A_198 = arith.muli %add3A_196, %mul3A_197 : i32
      %add3A_199 = arith.addi %sub3A_21, %mul3A_198 : i32
      %dma_start3A_200 = tpu.memref_slice %arg4[%add3A_199, %mul3A_23] : memref<65536x128xf32, #tpu.memory_space<hbm>> -> memref<128x32xf32, #tpu.memory_space<hbm>>
      %dma_start3A_201 = tpu.memref_slice %arg4[%add3A_199, %mul3A_23] : memref<65536x128xf32, #tpu.memory_space<hbm>> -> memref<128x32xf32, #tpu.memory_space<hbm>>
      tpu.enqueue_dma source(%arg7 : memref<128x32xf32, #tpu.memory_space<vmem>>) target(%dma_start3A_201 : memref<128x32xf32, #tpu.memory_space<hbm>>) target_semaphore(%arg23 : memref<!tpu.dma_semaphore, #tpu.memory_space<semaphore_mem>>)
      %dma_wait3A_202 = arith.constant 0 : i32
      %dma_wait3A_203 = tpu.memref_slice %arg5[%dma_wait3A_202] : memref<8192xi32, #tpu.memory_space<vmem>> -> memref<128xi32, #tpu.memory_space<vmem>>
      %dma_wait3A_204 = arith.constant 0 : i32
      %dma_wait3A_205 = arith.constant 0 : i32
      %dma_wait3A_206 = tpu.memref_slice %arg2[%dma_wait3A_204, %dma_wait3A_205] : memref<65536x32xf32, #tpu.memory_space<hbm>> -> memref<65536x32xf32, #tpu.memory_space<hbm>>
      tpu.wait_indirect_dma semaphore(%arg16 : memref<!tpu.dma_semaphore, #tpu.memory_space<semaphore_mem>>) src(%dma_wait3A_206 : memref<65536x32xf32, #tpu.memory_space<hbm>>) dst(%arg8 : memref<128x32xf32, #tpu.memory_space<vmem>>)
      %mul3A_207 = arith.constant 8 : i32
      %mul3A_208 = arith.muli %mul3A_207, %scan3A_172 : i32
      %add3A_209 = arith.constant 2 : i32
      %add3A_210 = arith.addi %mul3A_208, %add3A_209 : i32
      %mul3A_211 = arith.constant 128 : i32
      %mul3A_212 = arith.muli %add3A_210, %mul3A_211 : i32
      %add3A_213 = arith.addi %sub3A_21, %mul3A_212 : i32
      %dma_start3A_214 = tpu.memref_slice %arg4[%add3A_213, %mul3A_23] : memref<65536x128xf32, #tpu.memory_space<hbm>> -> memref<128x32xf32, #tpu.memory_space<hbm>>
      %dma_start3A_215 = tpu.memref_slice %arg4[%add3A_213, %mul3A_23] : memref<65536x128xf32, #tpu.memory_space<hbm>> -> memref<128x32xf32, #tpu.memory_space<hbm>>
      tpu.enqueue_dma source(%arg8 : memref<128x32xf32, #tpu.memory_space<vmem>>) target(%dma_start3A_215 : memref<128x32xf32, #tpu.memory_space<hbm>>) target_semaphore(%arg24 : memref<!tpu.dma_semaphore, #tpu.memory_space<semaphore_mem>>)
      %dma_wait3A_216 = arith.constant 0 : i32
      %dma_wait3A_217 = tpu.memref_slice %arg5[%dma_wait3A_216] : memref<8192xi32, #tpu.memory_space<vmem>> -> memref<128xi32, #tpu.memory_space<vmem>>
      %dma_wait3A_218 = arith.constant 0 : i32
      %dma_wait3A_219 = arith.constant 0 : i32
      %dma_wait3A_220 = tpu.memref_slice %arg2[%dma_wait3A_218, %dma_wait3A_219] : memref<65536x32xf32, #tpu.memory_space<hbm>> -> memref<65536x32xf32, #tpu.memory_space<hbm>>
      tpu.wait_indirect_dma semaphore(%arg17 : memref<!tpu.dma_semaphore, #tpu.memory_space<semaphore_mem>>) src(%dma_wait3A_220 : memref<65536x32xf32, #tpu.memory_space<hbm>>) dst(%arg9 : memref<128x32xf32, #tpu.memory_space<vmem>>)
      %mul3A_221 = arith.constant 8 : i32
      %mul3A_222 = arith.muli %mul3A_221, %scan3A_172 : i32
      %add3A_223 = arith.constant 3 : i32
      %add3A_224 = arith.addi %mul3A_222, %add3A_223 : i32
      %mul3A_225 = arith.constant 128 : i32
      %mul3A_226 = arith.muli %add3A_224, %mul3A_225 : i32
      %add3A_227 = arith.addi %sub3A_21, %mul3A_226 : i32
      %dma_start3A_228 = tpu.memref_slice %arg4[%add3A_227, %mul3A_23] : memref<65536x128xf32, #tpu.memory_space<hbm>> -> memref<128x32xf32, #tpu.memory_space<hbm>>
      %dma_start3A_229 = tpu.memref_slice %arg4[%add3A_227, %mul3A_23] : memref<65536x128xf32, #tpu.memory_space<hbm>> -> memref<128x32xf32, #tpu.memory_space<hbm>>
      tpu.enqueue_dma source(%arg9 : memref<128x32xf32, #tpu.memory_space<vmem>>) target(%dma_start3A_229 : memref<128x32xf32, #tpu.memory_space<hbm>>) target_semaphore(%arg25 : memref<!tpu.dma_semaphore, #tpu.memory_space<semaphore_mem>>)
      %dma_wait3A_230 = arith.constant 0 : i32
      %dma_wait3A_231 = tpu.memref_slice %arg5[%dma_wait3A_230] : memref<8192xi32, #tpu.memory_space<vmem>> -> memref<128xi32, #tpu.memory_space<vmem>>
      %dma_wait3A_232 = arith.constant 0 : i32
      %dma_wait3A_233 = arith.constant 0 : i32
      %dma_wait3A_234 = tpu.memref_slice %arg2[%dma_wait3A_232, %dma_wait3A_233] : memref<65536x32xf32, #tpu.memory_space<hbm>> -> memref<65536x32xf32, #tpu.memory_space<hbm>>
      tpu.wait_indirect_dma semaphore(%arg18 : memref<!tpu.dma_semaphore, #tpu.memory_space<semaphore_mem>>) src(%dma_wait3A_234 : memref<65536x32xf32, #tpu.memory_space<hbm>>) dst(%arg10 : memref<128x32xf32, #tpu.memory_space<vmem>>)
      %mul3A_235 = arith.constant 8 : i32
      %mul3A_236 = arith.muli %mul3A_235, %scan3A_172 : i32
      %add3A_237 = arith.constant 4 : i32
      %add3A_238 = arith.addi %mul3A_236, %add3A_237 : i32
      %mul3A_239 = arith.constant 128 : i32
      %mul3A_240 = arith.muli %add3A_238, %mul3A_239 : i32
      %add3A_241 = arith.addi %sub3A_21, %mul3A_240 : i32
      %dma_start3A_242 = tpu.memref_slice %arg4[%add3A_241, %mul3A_23] : memref<65536x128xf32, #tpu.memory_space<hbm>> -> memref<128x32xf32, #tpu.memory_space<hbm>>
      %dma_start3A_243 = tpu.memref_slice %arg4[%add3A_241, %mul3A_23] : memref<65536x128xf32, #tpu.memory_space<hbm>> -> memref<128x32xf32, #tpu.memory_space<hbm>>
      tpu.enqueue_dma source(%arg10 : memref<128x32xf32, #tpu.memory_space<vmem>>) target(%dma_start3A_243 : memref<128x32xf32, #tpu.memory_space<hbm>>) target_semaphore(%arg26 : memref<!tpu.dma_semaphore, #tpu.memory_space<semaphore_mem>>)
      %dma_wait3A_244 = arith.constant 0 : i32
      %dma_wait3A_245 = tpu.memref_slice %arg5[%dma_wait3A_244] : memref<8192xi32, #tpu.memory_space<vmem>> -> memref<128xi32, #tpu.memory_space<vmem>>
      %dma_wait3A_246 = arith.constant 0 : i32
      %dma_wait3A_247 = arith.constant 0 : i32
      %dma_wait3A_248 = tpu.memref_slice %arg2[%dma_wait3A_246, %dma_wait3A_247] : memref<65536x32xf32, #tpu.memory_space<hbm>> -> memref<65536x32xf32, #tpu.memory_space<hbm>>
      tpu.wait_indirect_dma semaphore(%arg19 : memref<!tpu.dma_semaphore, #tpu.memory_space<semaphore_mem>>) src(%dma_wait3A_248 : memref<65536x32xf32, #tpu.memory_space<hbm>>) dst(%arg11 : memref<128x32xf32, #tpu.memory_space<vmem>>)
      %mul3A_249 = arith.constant 8 : i32
      %mul3A_250 = arith.muli %mul3A_249, %scan3A_172 : i32
      %add3A_251 = arith.constant 5 : i32
      %add3A_252 = arith.addi %mul3A_250, %add3A_251 : i32
      %mul3A_253 = arith.constant 128 : i32
      %mul3A_254 = arith.muli %add3A_252, %mul3A_253 : i32
      %add3A_255 = arith.addi %sub3A_21, %mul3A_254 : i32
      %dma_start3A_256 = tpu.memref_slice %arg4[%add3A_255, %mul3A_23] : memref<65536x128xf32, #tpu.memory_space<hbm>> -> memref<128x32xf32, #tpu.memory_space<hbm>>
      %dma_start3A_257 = tpu.memref_slice %arg4[%add3A_255, %mul3A_23] : memref<65536x128xf32, #tpu.memory_space<hbm>> -> memref<128x32xf32, #tpu.memory_space<hbm>>
      tpu.enqueue_dma source(%arg11 : memref<128x32xf32, #tpu.memory_space<vmem>>) target(%dma_start3A_257 : memref<128x32xf32, #tpu.memory_space<hbm>>) target_semaphore(%arg27 : memref<!tpu.dma_semaphore, #tpu.memory_space<semaphore_mem>>)
      %dma_wait3A_258 = arith.constant 0 : i32
      %dma_wait3A_259 = tpu.memref_slice %arg5[%dma_wait3A_258] : memref<8192xi32, #tpu.memory_space<vmem>> -> memref<128xi32, #tpu.memory_space<vmem>>
      %dma_wait3A_260 = arith.constant 0 : i32
      %dma_wait3A_261 = arith.constant 0 : i32
      %dma_wait3A_262 = tpu.memref_slice %arg2[%dma_wait3A_260, %dma_wait3A_261] : memref<65536x32xf32, #tpu.memory_space<hbm>> -> memref<65536x32xf32, #tpu.memory_space<hbm>>
      tpu.wait_indirect_dma semaphore(%arg20 : memref<!tpu.dma_semaphore, #tpu.memory_space<semaphore_mem>>) src(%dma_wait3A_262 : memref<65536x32xf32, #tpu.memory_space<hbm>>) dst(%arg12 : memref<128x32xf32, #tpu.memory_space<vmem>>)
      %mul3A_263 = arith.constant 8 : i32
      %mul3A_264 = arith.muli %mul3A_263, %scan3A_172 : i32
      %add3A_265 = arith.constant 6 : i32
      %add3A_266 = arith.addi %mul3A_264, %add3A_265 : i32
      %mul3A_267 = arith.constant 128 : i32
      %mul3A_268 = arith.muli %add3A_266, %mul3A_267 : i32
      %add3A_269 = arith.addi %sub3A_21, %mul3A_268 : i32
      %dma_start3A_270 = tpu.memref_slice %arg4[%add3A_269, %mul3A_23] : memref<65536x128xf32, #tpu.memory_space<hbm>> -> memref<128x32xf32, #tpu.memory_space<hbm>>
      %dma_start3A_271 = tpu.memref_slice %arg4[%add3A_269, %mul3A_23] : memref<65536x128xf32, #tpu.memory_space<hbm>> -> memref<128x32xf32, #tpu.memory_space<hbm>>
      tpu.enqueue_dma source(%arg12 : memref<128x32xf32, #tpu.memory_space<vmem>>) target(%dma_start3A_271 : memref<128x32xf32, #tpu.memory_space<hbm>>) target_semaphore(%arg28 : memref<!tpu.dma_semaphore, #tpu.memory_space<semaphore_mem>>)
      %dma_wait3A_272 = arith.constant 0 : i32
      %dma_wait3A_273 = tpu.memref_slice %arg5[%dma_wait3A_272] : memref<8192xi32, #tpu.memory_space<vmem>> -> memref<128xi32, #tpu.memory_space<vmem>>
      %dma_wait3A_274 = arith.constant 0 : i32
      %dma_wait3A_275 = arith.constant 0 : i32
      %dma_wait3A_276 = tpu.memref_slice %arg2[%dma_wait3A_274, %dma_wait3A_275] : memref<65536x32xf32, #tpu.memory_space<hbm>> -> memref<65536x32xf32, #tpu.memory_space<hbm>>
      tpu.wait_indirect_dma semaphore(%arg21 : memref<!tpu.dma_semaphore, #tpu.memory_space<semaphore_mem>>) src(%dma_wait3A_276 : memref<65536x32xf32, #tpu.memory_space<hbm>>) dst(%arg13 : memref<128x32xf32, #tpu.memory_space<vmem>>)
      %mul3A_277 = arith.constant 8 : i32
      %mul3A_278 = arith.muli %mul3A_277, %scan3A_172 : i32
      %add3A_279 = arith.constant 7 : i32
      %add3A_280 = arith.addi %mul3A_278, %add3A_279 : i32
      %mul3A_281 = arith.constant 128 : i32
      %mul3A_282 = arith.muli %add3A_280, %mul3A_281 : i32
      %add3A_283 = arith.addi %sub3A_21, %mul3A_282 : i32
      %dma_start3A_284 = tpu.memref_slice %arg4[%add3A_283, %mul3A_23] : memref<65536x128xf32, #tpu.memory_space<hbm>> -> memref<128x32xf32, #tpu.memory_space<hbm>>
      %dma_start3A_285 = tpu.memref_slice %arg4[%add3A_283, %mul3A_23] : memref<65536x128xf32, #tpu.memory_space<hbm>> -> memref<128x32xf32, #tpu.memory_space<hbm>>
      tpu.enqueue_dma source(%arg13 : memref<128x32xf32, #tpu.memory_space<vmem>>) target(%dma_start3A_285 : memref<128x32xf32, #tpu.memory_space<hbm>>) target_semaphore(%arg29 : memref<!tpu.dma_semaphore, #tpu.memory_space<semaphore_mem>>)
      %add3A_286 = arith.constant 0 : i32
      %add3A_287 = arith.addi %sub3A_21, %add3A_286 : i32
      %dma_wait3A_288 = tpu.memref_slice %arg4[%add3A_287, %mul3A_23] : memref<65536x128xf32, #tpu.memory_space<hbm>> -> memref<128x32xf32, #tpu.memory_space<hbm>>
      %dma_wait3A_289 = tpu.memref_slice %arg4[%add3A_287, %mul3A_23] : memref<65536x128xf32, #tpu.memory_space<hbm>> -> memref<128x32xf32, #tpu.memory_space<hbm>>
      tpu.wait_dma2 semaphore(%arg22 : memref<!tpu.dma_semaphore, #tpu.memory_space<semaphore_mem>>) src(%arg6 : memref<128x32xf32, #tpu.memory_space<vmem>>) dst(%dma_wait3A_289 : memref<128x32xf32, #tpu.memory_space<hbm>>)
      %add3A_290 = arith.constant 1 : i32
      %add3A_291 = arith.addi %scan3A_172, %add3A_290 : i32
      %mul3A_292 = arith.constant 8 : i32
      %mul3A_293 = arith.muli %mul3A_292, %add3A_291 : i32
      %add3A_294 = arith.constant 0 : i32
      %add3A_295 = arith.addi %mul3A_293, %add3A_294 : i32
      %mul3A_296 = arith.constant 128 : i32
      %mul3A_297 = arith.muli %add3A_295, %mul3A_296 : i32
      %dma_start3A_298 = tpu.memref_slice %arg5[%mul3A_297] : memref<8192xi32, #tpu.memory_space<vmem>> -> memref<128xi32, #tpu.memory_space<vmem>>
      %dma_start3A_299 = arith.constant 0 : i32
      %dma_start3A_300 = arith.constant 0 : i32
      %dma_start3A_301 = tpu.memref_slice %arg2[%dma_start3A_299, %dma_start3A_300] : memref<65536x32xf32, #tpu.memory_space<hbm>> -> memref<65536x32xf32, #tpu.memory_space<hbm>>
      tpu.enqueue_indirect_dma source(%dma_start3A_301 : memref<65536x32xf32, #tpu.memory_space<hbm>>) target(%arg6 : memref<128x32xf32, #tpu.memory_space<vmem>>) offsets(%dma_start3A_298 : memref<128xi32, #tpu.memory_space<vmem>>) semaphore(%arg14 : memref<!tpu.dma_semaphore, #tpu.memory_space<semaphore_mem>>)
      %add3A_302 = arith.constant 0 : i32
      %add3A_303 = arith.addi %sub3A_21, %add3A_302 : i32
      %dma_wait3A_304 = tpu.memref_slice %arg4[%add3A_303, %mul3A_23] : memref<65536x128xf32, #tpu.memory_space<hbm>> -> memref<128x32xf32, #tpu.memory_space<hbm>>
      %dma_wait3A_305 = tpu.memref_slice %arg4[%add3A_303, %mul3A_23] : memref<65536x128xf32, #tpu.memory_space<hbm>> -> memref<128x32xf32, #tpu.memory_space<hbm>>
      tpu.wait_dma2 semaphore(%arg23 : memref<!tpu.dma_semaphore, #tpu.memory_space<semaphore_mem>>) src(%arg7 : memref<128x32xf32, #tpu.memory_space<vmem>>) dst(%dma_wait3A_305 : memref<128x32xf32, #tpu.memory_space<hbm>>)
      %add3A_306 = arith.constant 1 : i32
      %add3A_307 = arith.addi %scan3A_172, %add3A_306 : i32
      %mul3A_308 = arith.constant 8 : i32
      %mul3A_309 = arith.muli %mul3A_308, %add3A_307 : i32
      %add3A_310 = arith.constant 1 : i32
      %add3A_311 = arith.addi %mul3A_309, %add3A_310 : i32
      %mul3A_312 = arith.constant 128 : i32
      %mul3A_313 = arith.muli %add3A_311, %mul3A_312 : i32
      %dma_start3A_314 = tpu.memref_slice %arg5[%mul3A_313] : memref<8192xi32, #tpu.memory_space<vmem>> -> memref<128xi32, #tpu.memory_space<vmem>>
      %dma_start3A_315 = arith.constant 0 : i32
      %dma_start3A_316 = arith.constant 0 : i32
      %dma_start3A_317 = tpu.memref_slice %arg2[%dma_start3A_315, %dma_start3A_316] : memref<65536x32xf32, #tpu.memory_space<hbm>> -> memref<65536x32xf32, #tpu.memory_space<hbm>>
      tpu.enqueue_indirect_dma source(%dma_start3A_317 : memref<65536x32xf32, #tpu.memory_space<hbm>>) target(%arg7 : memref<128x32xf32, #tpu.memory_space<vmem>>) offsets(%dma_start3A_314 : memref<128xi32, #tpu.memory_space<vmem>>) semaphore(%arg15 : memref<!tpu.dma_semaphore, #tpu.memory_space<semaphore_mem>>)
      %add3A_318 = arith.constant 0 : i32
      %add3A_319 = arith.addi %sub3A_21, %add3A_318 : i32
      %dma_wait3A_320 = tpu.memref_slice %arg4[%add3A_319, %mul3A_23] : memref<65536x128xf32, #tpu.memory_space<hbm>> -> memref<128x32xf32, #tpu.memory_space<hbm>>
      %dma_wait3A_321 = tpu.memref_slice %arg4[%add3A_319, %mul3A_23] : memref<65536x128xf32, #tpu.memory_space<hbm>> -> memref<128x32xf32, #tpu.memory_space<hbm>>
      tpu.wait_dma2 semaphore(%arg24 : memref<!tpu.dma_semaphore, #tpu.memory_space<semaphore_mem>>) src(%arg8 : memref<128x32xf32, #tpu.memory_space<vmem>>) dst(%dma_wait3A_321 : memref<128x32xf32, #tpu.memory_space<hbm>>)
      %add3A_322 = arith.constant 1 : i32
      %add3A_323 = arith.addi %scan3A_172, %add3A_322 : i32
      %mul3A_324 = arith.constant 8 : i32
      %mul3A_325 = arith.muli %mul3A_324, %add3A_323 : i32
      %add3A_326 = arith.constant 2 : i32
      %add3A_327 = arith.addi %mul3A_325, %add3A_326 : i32
      %mul3A_328 = arith.constant 128 : i32
      %mul3A_329 = arith.muli %add3A_327, %mul3A_328 : i32
      %dma_start3A_330 = tpu.memref_slice %arg5[%mul3A_329] : memref<8192xi32, #tpu.memory_space<vmem>> -> memref<128xi32, #tpu.memory_space<vmem>>
      %dma_start3A_331 = arith.constant 0 : i32
      %dma_start3A_332 = arith.constant 0 : i32
      %dma_start3A_333 = tpu.memref_slice %arg2[%dma_start3A_331, %dma_start3A_332] : memref<65536x32xf32, #tpu.memory_space<hbm>> -> memref<65536x32xf32, #tpu.memory_space<hbm>>
      tpu.enqueue_indirect_dma source(%dma_start3A_333 : memref<65536x32xf32, #tpu.memory_space<hbm>>) target(%arg8 : memref<128x32xf32, #tpu.memory_space<vmem>>) offsets(%dma_start3A_330 : memref<128xi32, #tpu.memory_space<vmem>>) semaphore(%arg16 : memref<!tpu.dma_semaphore, #tpu.memory_space<semaphore_mem>>)
      %add3A_334 = arith.constant 0 : i32
      %add3A_335 = arith.addi %sub3A_21, %add3A_334 : i32
      %dma_wait3A_336 = tpu.memref_slice %arg4[%add3A_335, %mul3A_23] : memref<65536x128xf32, #tpu.memory_space<hbm>> -> memref<128x32xf32, #tpu.memory_space<hbm>>
      %dma_wait3A_337 = tpu.memref_slice %arg4[%add3A_335, %mul3A_23] : memref<65536x128xf32, #tpu.memory_space<hbm>> -> memref<128x32xf32, #tpu.memory_space<hbm>>
      tpu.wait_dma2 semaphore(%arg25 : memref<!tpu.dma_semaphore, #tpu.memory_space<semaphore_mem>>) src(%arg9 : memref<128x32xf32, #tpu.memory_space<vmem>>) dst(%dma_wait3A_337 : memref<128x32xf32, #tpu.memory_space<hbm>>)
      %add3A_338 = arith.constant 1 : i32
      %add3A_339 = arith.addi %scan3A_172, %add3A_338 : i32
      %mul3A_340 = arith.constant 8 : i32
      %mul3A_341 = arith.muli %mul3A_340, %add3A_339 : i32
      %add3A_342 = arith.constant 3 : i32
      %add3A_343 = arith.addi %mul3A_341, %add3A_342 : i32
      %mul3A_344 = arith.constant 128 : i32
      %mul3A_345 = arith.muli %add3A_343, %mul3A_344 : i32
      %dma_start3A_346 = tpu.memref_slice %arg5[%mul3A_345] : memref<8192xi32, #tpu.memory_space<vmem>> -> memref<128xi32, #tpu.memory_space<vmem>>
      %dma_start3A_347 = arith.constant 0 : i32
      %dma_start3A_348 = arith.constant 0 : i32
      %dma_start3A_349 = tpu.memref_slice %arg2[%dma_start3A_347, %dma_start3A_348] : memref<65536x32xf32, #tpu.memory_space<hbm>> -> memref<65536x32xf32, #tpu.memory_space<hbm>>
      tpu.enqueue_indirect_dma source(%dma_start3A_349 : memref<65536x32xf32, #tpu.memory_space<hbm>>) target(%arg9 : memref<128x32xf32, #tpu.memory_space<vmem>>) offsets(%dma_start3A_346 : memref<128xi32, #tpu.memory_space<vmem>>) semaphore(%arg17 : memref<!tpu.dma_semaphore, #tpu.memory_space<semaphore_mem>>)
      %add3A_350 = arith.constant 0 : i32
      %add3A_351 = arith.addi %sub3A_21, %add3A_350 : i32
      %dma_wait3A_352 = tpu.memref_slice %arg4[%add3A_351, %mul3A_23] : memref<65536x128xf32, #tpu.memory_space<hbm>> -> memref<128x32xf32, #tpu.memory_space<hbm>>
      %dma_wait3A_353 = tpu.memref_slice %arg4[%add3A_351, %mul3A_23] : memref<65536x128xf32, #tpu.memory_space<hbm>> -> memref<128x32xf32, #tpu.memory_space<hbm>>
      tpu.wait_dma2 semaphore(%arg26 : memref<!tpu.dma_semaphore, #tpu.memory_space<semaphore_mem>>) src(%arg10 : memref<128x32xf32, #tpu.memory_space<vmem>>) dst(%dma_wait3A_353 : memref<128x32xf32, #tpu.memory_space<hbm>>)
      %add3A_354 = arith.constant 1 : i32
      %add3A_355 = arith.addi %scan3A_172, %add3A_354 : i32
      %mul3A_356 = arith.constant 8 : i32
      %mul3A_357 = arith.muli %mul3A_356, %add3A_355 : i32
      %add3A_358 = arith.constant 4 : i32
      %add3A_359 = arith.addi %mul3A_357, %add3A_358 : i32
      %mul3A_360 = arith.constant 128 : i32
      %mul3A_361 = arith.muli %add3A_359, %mul3A_360 : i32
      %dma_start3A_362 = tpu.memref_slice %arg5[%mul3A_361] : memref<8192xi32, #tpu.memory_space<vmem>> -> memref<128xi32, #tpu.memory_space<vmem>>
      %dma_start3A_363 = arith.constant 0 : i32
      %dma_start3A_364 = arith.constant 0 : i32
      %dma_start3A_365 = tpu.memref_slice %arg2[%dma_start3A_363, %dma_start3A_364] : memref<65536x32xf32, #tpu.memory_space<hbm>> -> memref<65536x32xf32, #tpu.memory_space<hbm>>
      tpu.enqueue_indirect_dma source(%dma_start3A_365 : memref<65536x32xf32, #tpu.memory_space<hbm>>) target(%arg10 : memref<128x32xf32, #tpu.memory_space<vmem>>) offsets(%dma_start3A_362 : memref<128xi32, #tpu.memory_space<vmem>>) semaphore(%arg18 : memref<!tpu.dma_semaphore, #tpu.memory_space<semaphore_mem>>)
      %add3A_366 = arith.constant 0 : i32
      %add3A_367 = arith.addi %sub3A_21, %add3A_366 : i32
      %dma_wait3A_368 = tpu.memref_slice %arg4[%add3A_367, %mul3A_23] : memref<65536x128xf32, #tpu.memory_space<hbm>> -> memref<128x32xf32, #tpu.memory_space<hbm>>
      %dma_wait3A_369 = tpu.memref_slice %arg4[%add3A_367, %mul3A_23] : memref<65536x128xf32, #tpu.memory_space<hbm>> -> memref<128x32xf32, #tpu.memory_space<hbm>>
      tpu.wait_dma2 semaphore(%arg27 : memref<!tpu.dma_semaphore, #tpu.memory_space<semaphore_mem>>) src(%arg11 : memref<128x32xf32, #tpu.memory_space<vmem>>) dst(%dma_wait3A_369 : memref<128x32xf32, #tpu.memory_space<hbm>>)
      %add3A_370 = arith.constant 1 : i32
      %add3A_371 = arith.addi %scan3A_172, %add3A_370 : i32
      %mul3A_372 = arith.constant 8 : i32
      %mul3A_373 = arith.muli %mul3A_372, %add3A_371 : i32
      %add3A_374 = arith.constant 5 : i32
      %add3A_375 = arith.addi %mul3A_373, %add3A_374 : i32
      %mul3A_376 = arith.constant 128 : i32
      %mul3A_377 = arith.muli %add3A_375, %mul3A_376 : i32
      %dma_start3A_378 = tpu.memref_slice %arg5[%mul3A_377] : memref<8192xi32, #tpu.memory_space<vmem>> -> memref<128xi32, #tpu.memory_space<vmem>>
      %dma_start3A_379 = arith.constant 0 : i32
      %dma_start3A_380 = arith.constant 0 : i32
      %dma_start3A_381 = tpu.memref_slice %arg2[%dma_start3A_379, %dma_start3A_380] : memref<65536x32xf32, #tpu.memory_space<hbm>> -> memref<65536x32xf32, #tpu.memory_space<hbm>>
      tpu.enqueue_indirect_dma source(%dma_start3A_381 : memref<65536x32xf32, #tpu.memory_space<hbm>>) target(%arg11 : memref<128x32xf32, #tpu.memory_space<vmem>>) offsets(%dma_start3A_378 : memref<128xi32, #tpu.memory_space<vmem>>) semaphore(%arg19 : memref<!tpu.dma_semaphore, #tpu.memory_space<semaphore_mem>>)
      %add3A_382 = arith.constant 0 : i32
      %add3A_383 = arith.addi %sub3A_21, %add3A_382 : i32
      %dma_wait3A_384 = tpu.memref_slice %arg4[%add3A_383, %mul3A_23] : memref<65536x128xf32, #tpu.memory_space<hbm>> -> memref<128x32xf32, #tpu.memory_space<hbm>>
      %dma_wait3A_385 = tpu.memref_slice %arg4[%add3A_383, %mul3A_23] : memref<65536x128xf32, #tpu.memory_space<hbm>> -> memref<128x32xf32, #tpu.memory_space<hbm>>
      tpu.wait_dma2 semaphore(%arg28 : memref<!tpu.dma_semaphore, #tpu.memory_space<semaphore_mem>>) src(%arg12 : memref<128x32xf32, #tpu.memory_space<vmem>>) dst(%dma_wait3A_385 : memref<128x32xf32, #tpu.memory_space<hbm>>)
      %add3A_386 = arith.constant 1 : i32
      %add3A_387 = arith.addi %scan3A_172, %add3A_386 : i32
      %mul3A_388 = arith.constant 8 : i32
      %mul3A_389 = arith.muli %mul3A_388, %add3A_387 : i32
      %add3A_390 = arith.constant 6 : i32
      %add3A_391 = arith.addi %mul3A_389, %add3A_390 : i32
      %mul3A_392 = arith.constant 128 : i32
      %mul3A_393 = arith.muli %add3A_391, %mul3A_392 : i32
      %dma_start3A_394 = tpu.memref_slice %arg5[%mul3A_393] : memref<8192xi32, #tpu.memory_space<vmem>> -> memref<128xi32, #tpu.memory_space<vmem>>
      %dma_start3A_395 = arith.constant 0 : i32
      %dma_start3A_396 = arith.constant 0 : i32
      %dma_start3A_397 = tpu.memref_slice %arg2[%dma_start3A_395, %dma_start3A_396] : memref<65536x32xf32, #tpu.memory_space<hbm>> -> memref<65536x32xf32, #tpu.memory_space<hbm>>
      tpu.enqueue_indirect_dma source(%dma_start3A_397 : memref<65536x32xf32, #tpu.memory_space<hbm>>) target(%arg12 : memref<128x32xf32, #tpu.memory_space<vmem>>) offsets(%dma_start3A_394 : memref<128xi32, #tpu.memory_space<vmem>>) semaphore(%arg20 : memref<!tpu.dma_semaphore, #tpu.memory_space<semaphore_mem>>)
      %add3A_398 = arith.constant 0 : i32
      %add3A_399 = arith.addi %sub3A_21, %add3A_398 : i32
      %dma_wait3A_400 = tpu.memref_slice %arg4[%add3A_399, %mul3A_23] : memref<65536x128xf32, #tpu.memory_space<hbm>> -> memref<128x32xf32, #tpu.memory_space<hbm>>
      %dma_wait3A_401 = tpu.memref_slice %arg4[%add3A_399, %mul3A_23] : memref<65536x128xf32, #tpu.memory_space<hbm>> -> memref<128x32xf32, #tpu.memory_space<hbm>>
      tpu.wait_dma2 semaphore(%arg29 : memref<!tpu.dma_semaphore, #tpu.memory_space<semaphore_mem>>) src(%arg13 : memref<128x32xf32, #tpu.memory_space<vmem>>) dst(%dma_wait3A_401 : memref<128x32xf32, #tpu.memory_space<hbm>>)
      %add3A_402 = arith.constant 1 : i32
      %add3A_403 = arith.addi %scan3A_172, %add3A_402 : i32
      %mul3A_404 = arith.constant 8 : i32
      %mul3A_405 = arith.muli %mul3A_404, %add3A_403 : i32
      %add3A_406 = arith.constant 7 : i32
      %add3A_407 = arith.addi %mul3A_405, %add3A_406 : i32
      %mul3A_408 = arith.constant 128 : i32
      %mul3A_409 = arith.muli %add3A_407, %mul3A_408 : i32
      %dma_start3A_410 = tpu.memref_slice %arg5[%mul3A_409] : memref<8192xi32, #tpu.memory_space<vmem>> -> memref<128xi32, #tpu.memory_space<vmem>>
      %dma_start3A_411 = arith.constant 0 : i32
      %dma_start3A_412 = arith.constant 0 : i32
      %dma_start3A_413 = tpu.memref_slice %arg2[%dma_start3A_411, %dma_start3A_412] : memref<65536x32xf32, #tpu.memory_space<hbm>> -> memref<65536x32xf32, #tpu.memory_space<hbm>>
      tpu.enqueue_indirect_dma source(%dma_start3A_413 : memref<65536x32xf32, #tpu.memory_space<hbm>>) target(%arg13 : memref<128x32xf32, #tpu.memory_space<vmem>>) offsets(%dma_start3A_410 : memref<128xi32, #tpu.memory_space<vmem>>) semaphore(%arg21 : memref<!tpu.dma_semaphore, #tpu.memory_space<semaphore_mem>>)
      %scan3A_414 = arith.constant 0 : i32
      scf.yield %scan3A_414 : i32
    }
    %scan3A_68 = arith.constant 7 : i32
    %dma_wait3A = arith.constant 0 : i32
    %dma_wait3A_69 = tpu.memref_slice %arg5[%dma_wait3A] : memref<8192xi32, #tpu.memory_space<vmem>> -> memref<128xi32, #tpu.memory_space<vmem>>
    %dma_wait3A_70 = arith.constant 0 : i32
    %dma_wait3A_71 = arith.constant 0 : i32
    %dma_wait3A_72 = tpu.memref_slice %arg2[%dma_wait3A_70, %dma_wait3A_71] : memref<65536x32xf32, #tpu.memory_space<hbm>> -> memref<65536x32xf32, #tpu.memory_space<hbm>>
    tpu.wait_indirect_dma semaphore(%arg14 : memref<!tpu.dma_semaphore, #tpu.memory_space<semaphore_mem>>) src(%dma_wait3A_72 : memref<65536x32xf32, #tpu.memory_space<hbm>>) dst(%arg6 : memref<128x32xf32, #tpu.memory_space<vmem>>)
    %add3A_73 = arith.constant 7168 : i32
    %add3A_74 = arith.addi %sub3A_21, %add3A_73 : i32
    %dma_start3A_75 = tpu.memref_slice %arg4[%add3A_74, %mul3A_23] : memref<65536x128xf32, #tpu.memory_space<hbm>> -> memref<128x32xf32, #tpu.memory_space<hbm>>
    %dma_start3A_76 = tpu.memref_slice %arg4[%add3A_74, %mul3A_23] : memref<65536x128xf32, #tpu.memory_space<hbm>> -> memref<128x32xf32, #tpu.memory_space<hbm>>
    tpu.enqueue_dma source(%arg6 : memref<128x32xf32, #tpu.memory_space<vmem>>) target(%dma_start3A_76 : memref<128x32xf32, #tpu.memory_space<hbm>>) target_semaphore(%arg22 : memref<!tpu.dma_semaphore, #tpu.memory_space<semaphore_mem>>)
    %dma_wait3A_77 = arith.constant 0 : i32
    %dma_wait3A_78 = tpu.memref_slice %arg5[%dma_wait3A_77] : memref<8192xi32, #tpu.memory_space<vmem>> -> memref<128xi32, #tpu.memory_space<vmem>>
    %dma_wait3A_79 = arith.constant 0 : i32
    %dma_wait3A_80 = arith.constant 0 : i32
    %dma_wait3A_81 = tpu.memref_slice %arg2[%dma_wait3A_79, %dma_wait3A_80] : memref<65536x32xf32, #tpu.memory_space<hbm>> -> memref<65536x32xf32, #tpu.memory_space<hbm>>
    tpu.wait_indirect_dma semaphore(%arg15 : memref<!tpu.dma_semaphore, #tpu.memory_space<semaphore_mem>>) src(%dma_wait3A_81 : memref<65536x32xf32, #tpu.memory_space<hbm>>) dst(%arg7 : memref<128x32xf32, #tpu.memory_space<vmem>>)
    %add3A_82 = arith.constant 7296 : i32
    %add3A_83 = arith.addi %sub3A_21, %add3A_82 : i32
    %dma_start3A_84 = tpu.memref_slice %arg4[%add3A_83, %mul3A_23] : memref<65536x128xf32, #tpu.memory_space<hbm>> -> memref<128x32xf32, #tpu.memory_space<hbm>>
    %dma_start3A_85 = tpu.memref_slice %arg4[%add3A_83, %mul3A_23] : memref<65536x128xf32, #tpu.memory_space<hbm>> -> memref<128x32xf32, #tpu.memory_space<hbm>>
    tpu.enqueue_dma source(%arg7 : memref<128x32xf32, #tpu.memory_space<vmem>>) target(%dma_start3A_85 : memref<128x32xf32, #tpu.memory_space<hbm>>) target_semaphore(%arg23 : memref<!tpu.dma_semaphore, #tpu.memory_space<semaphore_mem>>)
    %dma_wait3A_86 = arith.constant 0 : i32
    %dma_wait3A_87 = tpu.memref_slice %arg5[%dma_wait3A_86] : memref<8192xi32, #tpu.memory_space<vmem>> -> memref<128xi32, #tpu.memory_space<vmem>>
    %dma_wait3A_88 = arith.constant 0 : i32
    %dma_wait3A_89 = arith.constant 0 : i32
    %dma_wait3A_90 = tpu.memref_slice %arg2[%dma_wait3A_88, %dma_wait3A_89] : memref<65536x32xf32, #tpu.memory_space<hbm>> -> memref<65536x32xf32, #tpu.memory_space<hbm>>
    tpu.wait_indirect_dma semaphore(%arg16 : memref<!tpu.dma_semaphore, #tpu.memory_space<semaphore_mem>>) src(%dma_wait3A_90 : memref<65536x32xf32, #tpu.memory_space<hbm>>) dst(%arg8 : memref<128x32xf32, #tpu.memory_space<vmem>>)
    %add3A_91 = arith.constant 7424 : i32
    %add3A_92 = arith.addi %sub3A_21, %add3A_91 : i32
    %dma_start3A_93 = tpu.memref_slice %arg4[%add3A_92, %mul3A_23] : memref<65536x128xf32, #tpu.memory_space<hbm>> -> memref<128x32xf32, #tpu.memory_space<hbm>>
    %dma_start3A_94 = tpu.memref_slice %arg4[%add3A_92, %mul3A_23] : memref<65536x128xf32, #tpu.memory_space<hbm>> -> memref<128x32xf32, #tpu.memory_space<hbm>>
    tpu.enqueue_dma source(%arg8 : memref<128x32xf32, #tpu.memory_space<vmem>>) target(%dma_start3A_94 : memref<128x32xf32, #tpu.memory_space<hbm>>) target_semaphore(%arg24 : memref<!tpu.dma_semaphore, #tpu.memory_space<semaphore_mem>>)
    %dma_wait3A_95 = arith.constant 0 : i32
    %dma_wait3A_96 = tpu.memref_slice %arg5[%dma_wait3A_95] : memref<8192xi32, #tpu.memory_space<vmem>> -> memref<128xi32, #tpu.memory_space<vmem>>
    %dma_wait3A_97 = arith.constant 0 : i32
    %dma_wait3A_98 = arith.constant 0 : i32
    %dma_wait3A_99 = tpu.memref_slice %arg2[%dma_wait3A_97, %dma_wait3A_98] : memref<65536x32xf32, #tpu.memory_space<hbm>> -> memref<65536x32xf32, #tpu.memory_space<hbm>>
    tpu.wait_indirect_dma semaphore(%arg17 : memref<!tpu.dma_semaphore, #tpu.memory_space<semaphore_mem>>) src(%dma_wait3A_99 : memref<65536x32xf32, #tpu.memory_space<hbm>>) dst(%arg9 : memref<128x32xf32, #tpu.memory_space<vmem>>)
    %add3A_100 = arith.constant 7552 : i32
    %add3A_101 = arith.addi %sub3A_21, %add3A_100 : i32
    %dma_start3A_102 = tpu.memref_slice %arg4[%add3A_101, %mul3A_23] : memref<65536x128xf32, #tpu.memory_space<hbm>> -> memref<128x32xf32, #tpu.memory_space<hbm>>
    %dma_start3A_103 = tpu.memref_slice %arg4[%add3A_101, %mul3A_23] : memref<65536x128xf32, #tpu.memory_space<hbm>> -> memref<128x32xf32, #tpu.memory_space<hbm>>
    tpu.enqueue_dma source(%arg9 : memref<128x32xf32, #tpu.memory_space<vmem>>) target(%dma_start3A_103 : memref<128x32xf32, #tpu.memory_space<hbm>>) target_semaphore(%arg25 : memref<!tpu.dma_semaphore, #tpu.memory_space<semaphore_mem>>)
    %dma_wait3A_104 = arith.constant 0 : i32
    %dma_wait3A_105 = tpu.memref_slice %arg5[%dma_wait3A_104] : memref<8192xi32, #tpu.memory_space<vmem>> -> memref<128xi32, #tpu.memory_space<vmem>>
    %dma_wait3A_106 = arith.constant 0 : i32
    %dma_wait3A_107 = arith.constant 0 : i32
    %dma_wait3A_108 = tpu.memref_slice %arg2[%dma_wait3A_106, %dma_wait3A_107] : memref<65536x32xf32, #tpu.memory_space<hbm>> -> memref<65536x32xf32, #tpu.memory_space<hbm>>
    tpu.wait_indirect_dma semaphore(%arg18 : memref<!tpu.dma_semaphore, #tpu.memory_space<semaphore_mem>>) src(%dma_wait3A_108 : memref<65536x32xf32, #tpu.memory_space<hbm>>) dst(%arg10 : memref<128x32xf32, #tpu.memory_space<vmem>>)
    %add3A_109 = arith.constant 7680 : i32
    %add3A_110 = arith.addi %sub3A_21, %add3A_109 : i32
    %dma_start3A_111 = tpu.memref_slice %arg4[%add3A_110, %mul3A_23] : memref<65536x128xf32, #tpu.memory_space<hbm>> -> memref<128x32xf32, #tpu.memory_space<hbm>>
    %dma_start3A_112 = tpu.memref_slice %arg4[%add3A_110, %mul3A_23] : memref<65536x128xf32, #tpu.memory_space<hbm>> -> memref<128x32xf32, #tpu.memory_space<hbm>>
    tpu.enqueue_dma source(%arg10 : memref<128x32xf32, #tpu.memory_space<vmem>>) target(%dma_start3A_112 : memref<128x32xf32, #tpu.memory_space<hbm>>) target_semaphore(%arg26 : memref<!tpu.dma_semaphore, #tpu.memory_space<semaphore_mem>>)
    %dma_wait3A_113 = arith.constant 0 : i32
    %dma_wait3A_114 = tpu.memref_slice %arg5[%dma_wait3A_113] : memref<8192xi32, #tpu.memory_space<vmem>> -> memref<128xi32, #tpu.memory_space<vmem>>
    %dma_wait3A_115 = arith.constant 0 : i32
    %dma_wait3A_116 = arith.constant 0 : i32
    %dma_wait3A_117 = tpu.memref_slice %arg2[%dma_wait3A_115, %dma_wait3A_116] : memref<65536x32xf32, #tpu.memory_space<hbm>> -> memref<65536x32xf32, #tpu.memory_space<hbm>>
    tpu.wait_indirect_dma semaphore(%arg19 : memref<!tpu.dma_semaphore, #tpu.memory_space<semaphore_mem>>) src(%dma_wait3A_117 : memref<65536x32xf32, #tpu.memory_space<hbm>>) dst(%arg11 : memref<128x32xf32, #tpu.memory_space<vmem>>)
    %add3A_118 = arith.constant 7808 : i32
    %add3A_119 = arith.addi %sub3A_21, %add3A_118 : i32
    %dma_start3A_120 = tpu.memref_slice %arg4[%add3A_119, %mul3A_23] : memref<65536x128xf32, #tpu.memory_space<hbm>> -> memref<128x32xf32, #tpu.memory_space<hbm>>
    %dma_start3A_121 = tpu.memref_slice %arg4[%add3A_119, %mul3A_23] : memref<65536x128xf32, #tpu.memory_space<hbm>> -> memref<128x32xf32, #tpu.memory_space<hbm>>
    tpu.enqueue_dma source(%arg11 : memref<128x32xf32, #tpu.memory_space<vmem>>) target(%dma_start3A_121 : memref<128x32xf32, #tpu.memory_space<hbm>>) target_semaphore(%arg27 : memref<!tpu.dma_semaphore, #tpu.memory_space<semaphore_mem>>)
    %dma_wait3A_122 = arith.constant 0 : i32
    %dma_wait3A_123 = tpu.memref_slice %arg5[%dma_wait3A_122] : memref<8192xi32, #tpu.memory_space<vmem>> -> memref<128xi32, #tpu.memory_space<vmem>>
    %dma_wait3A_124 = arith.constant 0 : i32
    %dma_wait3A_125 = arith.constant 0 : i32
    %dma_wait3A_126 = tpu.memref_slice %arg2[%dma_wait3A_124, %dma_wait3A_125] : memref<65536x32xf32, #tpu.memory_space<hbm>> -> memref<65536x32xf32, #tpu.memory_space<hbm>>
    tpu.wait_indirect_dma semaphore(%arg20 : memref<!tpu.dma_semaphore, #tpu.memory_space<semaphore_mem>>) src(%dma_wait3A_126 : memref<65536x32xf32, #tpu.memory_space<hbm>>) dst(%arg12 : memref<128x32xf32, #tpu.memory_space<vmem>>)
    %add3A_127 = arith.constant 7936 : i32
    %add3A_128 = arith.addi %sub3A_21, %add3A_127 : i32
    %dma_start3A_129 = tpu.memref_slice %arg4[%add3A_128, %mul3A_23] : memref<65536x128xf32, #tpu.memory_space<hbm>> -> memref<128x32xf32, #tpu.memory_space<hbm>>
    %dma_start3A_130 = tpu.memref_slice %arg4[%add3A_128, %mul3A_23] : memref<65536x128xf32, #tpu.memory_space<hbm>> -> memref<128x32xf32, #tpu.memory_space<hbm>>
    tpu.enqueue_dma source(%arg12 : memref<128x32xf32, #tpu.memory_space<vmem>>) target(%dma_start3A_130 : memref<128x32xf32, #tpu.memory_space<hbm>>) target_semaphore(%arg28 : memref<!tpu.dma_semaphore, #tpu.memory_space<semaphore_mem>>)
    %dma_wait3A_131 = arith.constant 0 : i32
    %dma_wait3A_132 = tpu.memref_slice %arg5[%dma_wait3A_131] : memref<8192xi32, #tpu.memory_space<vmem>> -> memref<128xi32, #tpu.memory_space<vmem>>
    %dma_wait3A_133 = arith.constant 0 : i32
    %dma_wait3A_134 = arith.constant 0 : i32
    %dma_wait3A_135 = tpu.memref_slice %arg2[%dma_wait3A_133, %dma_wait3A_134] : memref<65536x32xf32, #tpu.memory_space<hbm>> -> memref<65536x32xf32, #tpu.memory_space<hbm>>
    tpu.wait_indirect_dma semaphore(%arg21 : memref<!tpu.dma_semaphore, #tpu.memory_space<semaphore_mem>>) src(%dma_wait3A_135 : memref<65536x32xf32, #tpu.memory_space<hbm>>) dst(%arg13 : memref<128x32xf32, #tpu.memory_space<vmem>>)
    %add3A_136 = arith.constant 8064 : i32
    %add3A_137 = arith.addi %sub3A_21, %add3A_136 : i32
    %dma_start3A_138 = tpu.memref_slice %arg4[%add3A_137, %mul3A_23] : memref<65536x128xf32, #tpu.memory_space<hbm>> -> memref<128x32xf32, #tpu.memory_space<hbm>>
    %dma_start3A_139 = tpu.memref_slice %arg4[%add3A_137, %mul3A_23] : memref<65536x128xf32, #tpu.memory_space<hbm>> -> memref<128x32xf32, #tpu.memory_space<hbm>>
    tpu.enqueue_dma source(%arg13 : memref<128x32xf32, #tpu.memory_space<vmem>>) target(%dma_start3A_139 : memref<128x32xf32, #tpu.memory_space<hbm>>) target_semaphore(%arg29 : memref<!tpu.dma_semaphore, #tpu.memory_space<semaphore_mem>>)
    %add3A_140 = arith.constant 0 : i32
    %add3A_141 = arith.addi %sub3A_21, %add3A_140 : i32
    %dma_wait3A_142 = tpu.memref_slice %arg4[%add3A_141, %mul3A_23] : memref<65536x128xf32, #tpu.memory_space<hbm>> -> memref<128x32xf32, #tpu.memory_space<hbm>>
    %dma_wait3A_143 = tpu.memref_slice %arg4[%add3A_141, %mul3A_23] : memref<65536x128xf32, #tpu.memory_space<hbm>> -> memref<128x32xf32, #tpu.memory_space<hbm>>
    tpu.wait_dma2 semaphore(%arg22 : memref<!tpu.dma_semaphore, #tpu.memory_space<semaphore_mem>>) src(%arg6 : memref<128x32xf32, #tpu.memory_space<vmem>>) dst(%dma_wait3A_143 : memref<128x32xf32, #tpu.memory_space<hbm>>)
    %add3A_144 = arith.constant 0 : i32
    %add3A_145 = arith.addi %sub3A_21, %add3A_144 : i32
    %dma_wait3A_146 = tpu.memref_slice %arg4[%add3A_145, %mul3A_23] : memref<65536x128xf32, #tpu.memory_space<hbm>> -> memref<128x32xf32, #tpu.memory_space<hbm>>
    %dma_wait3A_147 = tpu.memref_slice %arg4[%add3A_145, %mul3A_23] : memref<65536x128xf32, #tpu.memory_space<hbm>> -> memref<128x32xf32, #tpu.memory_space<hbm>>
    tpu.wait_dma2 semaphore(%arg23 : memref<!tpu.dma_semaphore, #tpu.memory_space<semaphore_mem>>) src(%arg7 : memref<128x32xf32, #tpu.memory_space<vmem>>) dst(%dma_wait3A_147 : memref<128x32xf32, #tpu.memory_space<hbm>>)
    %add3A_148 = arith.constant 0 : i32
    %add3A_149 = arith.addi %sub3A_21, %add3A_148 : i32
    %dma_wait3A_150 = tpu.memref_slice %arg4[%add3A_149, %mul3A_23] : memref<65536x128xf32, #tpu.memory_space<hbm>> -> memref<128x32xf32, #tpu.memory_space<hbm>>
    %dma_wait3A_151 = tpu.memref_slice %arg4[%add3A_149, %mul3A_23] : memref<65536x128xf32, #tpu.memory_space<hbm>> -> memref<128x32xf32, #tpu.memory_space<hbm>>
    tpu.wait_dma2 semaphore(%arg24 : memref<!tpu.dma_semaphore, #tpu.memory_space<semaphore_mem>>) src(%arg8 : memref<128x32xf32, #tpu.memory_space<vmem>>) dst(%dma_wait3A_151 : memref<128x32xf32, #tpu.memory_space<hbm>>)
    %add3A_152 = arith.constant 0 : i32
    %add3A_153 = arith.addi %sub3A_21, %add3A_152 : i32
    %dma_wait3A_154 = tpu.memref_slice %arg4[%add3A_153, %mul3A_23] : memref<65536x128xf32, #tpu.memory_space<hbm>> -> memref<128x32xf32, #tpu.memory_space<hbm>>
    %dma_wait3A_155 = tpu.memref_slice %arg4[%add3A_153, %mul3A_23] : memref<65536x128xf32, #tpu.memory_space<hbm>> -> memref<128x32xf32, #tpu.memory_space<hbm>>
    tpu.wait_dma2 semaphore(%arg25 : memref<!tpu.dma_semaphore, #tpu.memory_space<semaphore_mem>>) src(%arg9 : memref<128x32xf32, #tpu.memory_space<vmem>>) dst(%dma_wait3A_155 : memref<128x32xf32, #tpu.memory_space<hbm>>)
    %add3A_156 = arith.constant 0 : i32
    %add3A_157 = arith.addi %sub3A_21, %add3A_156 : i32
    %dma_wait3A_158 = tpu.memref_slice %arg4[%add3A_157, %mul3A_23] : memref<65536x128xf32, #tpu.memory_space<hbm>> -> memref<128x32xf32, #tpu.memory_space<hbm>>
    %dma_wait3A_159 = tpu.memref_slice %arg4[%add3A_157, %mul3A_23] : memref<65536x128xf32, #tpu.memory_space<hbm>> -> memref<128x32xf32, #tpu.memory_space<hbm>>
    tpu.wait_dma2 semaphore(%arg26 : memref<!tpu.dma_semaphore, #tpu.memory_space<semaphore_mem>>) src(%arg10 : memref<128x32xf32, #tpu.memory_space<vmem>>) dst(%dma_wait3A_159 : memref<128x32xf32, #tpu.memory_space<hbm>>)
    %add3A_160 = arith.constant 0 : i32
    %add3A_161 = arith.addi %sub3A_21, %add3A_160 : i32
    %dma_wait3A_162 = tpu.memref_slice %arg4[%add3A_161, %mul3A_23] : memref<65536x128xf32, #tpu.memory_space<hbm>> -> memref<128x32xf32, #tpu.memory_space<hbm>>
    %dma_wait3A_163 = tpu.memref_slice %arg4[%add3A_161, %mul3A_23] : memref<65536x128xf32, #tpu.memory_space<hbm>> -> memref<128x32xf32, #tpu.memory_space<hbm>>
    tpu.wait_dma2 semaphore(%arg27 : memref<!tpu.dma_semaphore, #tpu.memory_space<semaphore_mem>>) src(%arg11 : memref<128x32xf32, #tpu.memory_space<vmem>>) dst(%dma_wait3A_163 : memref<128x32xf32, #tpu.memory_space<hbm>>)
    %add3A_164 = arith.constant 0 : i32
    %add3A_165 = arith.addi %sub3A_21, %add3A_164 : i32
    %dma_wait3A_166 = tpu.memref_slice %arg4[%add3A_165, %mul3A_23] : memref<65536x128xf32, #tpu.memory_space<hbm>> -> memref<128x32xf32, #tpu.memory_space<hbm>>
    %dma_wait3A_167 = tpu.memref_slice %arg4[%add3A_165, %mul3A_23] : memref<65536x128xf32, #tpu.memory_space<hbm>> -> memref<128x32xf32, #tpu.memory_space<hbm>>
    tpu.wait_dma2 semaphore(%arg28 : memref<!tpu.dma_semaphore, #tpu.memory_space<semaphore_mem>>) src(%arg12 : memref<128x32xf32, #tpu.memory_space<vmem>>) dst(%dma_wait3A_167 : memref<128x32xf32, #tpu.memory_space<hbm>>)
    %add3A_168 = arith.constant 0 : i32
    %add3A_169 = arith.addi %sub3A_21, %add3A_168 : i32
    %dma_wait3A_170 = tpu.memref_slice %arg4[%add3A_169, %mul3A_23] : memref<65536x128xf32, #tpu.memory_space<hbm>> -> memref<128x32xf32, #tpu.memory_space<hbm>>
    %dma_wait3A_171 = tpu.memref_slice %arg4[%add3A_169, %mul3A_23] : memref<65536x128xf32, #tpu.memory_space<hbm>> -> memref<128x32xf32, #tpu.memory_space<hbm>>
    tpu.wait_dma2 semaphore(%arg29 : memref<!tpu.dma_semaphore, #tpu.memory_space<semaphore_mem>>) src(%arg13 : memref<128x32xf32, #tpu.memory_space<vmem>>) dst(%dma_wait3A_171 : memref<128x32xf32, #tpu.memory_space<hbm>>)
    return
  }
}

module attributes {stable_mosaic.version = 14 : i64} {
  func.func @_proj_u_kernel(%arg0: i32, %arg1: memref<4x3x2048xf32, #tpu.memory_space<vmem>>, %arg2: memref<4x32x2048xf32, #tpu.memory_space<vmem>>, %arg3: memref<3x32xf32, #tpu.memory_space<vmem>>, %arg4: memref<32x32xf32, #tpu.memory_space<vmem>>, %arg5: memref<2048x128xf32, #tpu.memory_space<vmem>>) attributes {dimension_semantics = [#tpu.dimension_semantics<arbitrary>], iteration_bounds = array<i64: 8>, scalar_prefetch = 0 : i64, scratch_operands = 0 : i64, tpu.core_type = #tpu.core_type<tc>, window_params = [{transform_indices = @transform_0, window_bounds = array<i64: 4, 3, 2048>}, {transform_indices = @transform_1, window_bounds = array<i64: 4, 32, 2048>}, {pipeline_mode = #tpu.pipeline_mode<synchronous>, transform_indices = @transform_2, window_bounds = array<i64: 3, 32>}, {pipeline_mode = #tpu.pipeline_mode<synchronous>, transform_indices = @transform_3, window_bounds = array<i64: 32, 32>}, {transform_indices = @transform_4, window_bounds = array<i64: 2048, 128>}]} {
    %get3A = arith.constant 0 : index
    %get3A_0 = arith.constant 0 : index
    %get3A_1 = arith.constant 0 : index
    %get3A_2 = vector.load %arg1[%get3A, %get3A_0, %get3A_1] : memref<4x3x2048xf32, #tpu.memory_space<vmem>>, vector<1x3x2048xf32>
    %get3A_3 = vector.shape_cast %get3A_2 : vector<1x3x2048xf32> to vector<3x2048xf32>
    %get3A_4 = arith.constant 0 : index
    %get3A_5 = arith.constant 0 : index
    %get3A_6 = vector.load %arg3[%get3A_4, %get3A_5] : memref<3x32xf32, #tpu.memory_space<vmem>>, vector<3x32xf32>
    %dot_general3A = arith.constant dense<0.000000e+00> : vector<2048x32xf32>
    %dot_general3A_7 = tpu.matmul %get3A_3, %get3A_6, %dot_general3A {dimension_numbers = #tpu.dot_dimension_numbers<[0], [0], [1], [1], [0, 1, 1, 1], [], []>, transpose_lhs_hint = false} : vector<3x2048xf32>, vector<3x32xf32>, vector<2048x32xf32> -> vector<2048x32xf32>
    %get3A_8 = arith.constant 0 : index
    %get3A_9 = arith.constant 0 : index
    %get3A_10 = arith.constant 0 : index
    %get3A_11 = vector.load %arg2[%get3A_8, %get3A_9, %get3A_10] : memref<4x32x2048xf32, #tpu.memory_space<vmem>>, vector<1x32x2048xf32>
    %get3A_12 = vector.shape_cast %get3A_11 : vector<1x32x2048xf32> to vector<32x2048xf32>
    %get3A_13 = arith.constant 0 : index
    %get3A_14 = arith.constant 0 : index
    %get3A_15 = vector.load %arg4[%get3A_13, %get3A_14] : memref<32x32xf32, #tpu.memory_space<vmem>>, vector<32x32xf32>
    %dot_general3A_16 = arith.constant dense<0.000000e+00> : vector<2048x32xf32>
    %dot_general3A_17 = tpu.matmul %get3A_12, %get3A_15, %dot_general3A_16 {dimension_numbers = #tpu.dot_dimension_numbers<[0], [0], [1], [1], [0, 1, 1, 1], [], []>, transpose_lhs_hint = false} : vector<32x2048xf32>, vector<32x32xf32>, vector<2048x32xf32> -> vector<2048x32xf32>
    %add3A = arith.addf %dot_general3A_7, %dot_general3A_17 : vector<2048x32xf32>
    %get3A_18 = arith.constant 1 : index
    %get3A_19 = arith.constant 0 : index
    %get3A_20 = arith.constant 0 : index
    %get3A_21 = vector.load %arg1[%get3A_18, %get3A_19, %get3A_20] : memref<4x3x2048xf32, #tpu.memory_space<vmem>>, vector<1x3x2048xf32>
    %get3A_22 = vector.shape_cast %get3A_21 : vector<1x3x2048xf32> to vector<3x2048xf32>
    %get3A_23 = arith.constant 0 : index
    %get3A_24 = arith.constant 0 : index
    %get3A_25 = vector.load %arg3[%get3A_23, %get3A_24] : memref<3x32xf32, #tpu.memory_space<vmem>>, vector<3x32xf32>
    %dot_general3A_26 = arith.constant dense<0.000000e+00> : vector<2048x32xf32>
    %dot_general3A_27 = tpu.matmul %get3A_22, %get3A_25, %dot_general3A_26 {dimension_numbers = #tpu.dot_dimension_numbers<[0], [0], [1], [1], [0, 1, 1, 1], [], []>, transpose_lhs_hint = false} : vector<3x2048xf32>, vector<3x32xf32>, vector<2048x32xf32> -> vector<2048x32xf32>
    %get3A_28 = arith.constant 1 : index
    %get3A_29 = arith.constant 0 : index
    %get3A_30 = arith.constant 0 : index
    %get3A_31 = vector.load %arg2[%get3A_28, %get3A_29, %get3A_30] : memref<4x32x2048xf32, #tpu.memory_space<vmem>>, vector<1x32x2048xf32>
    %get3A_32 = vector.shape_cast %get3A_31 : vector<1x32x2048xf32> to vector<32x2048xf32>
    %get3A_33 = arith.constant 0 : index
    %get3A_34 = arith.constant 0 : index
    %get3A_35 = vector.load %arg4[%get3A_33, %get3A_34] : memref<32x32xf32, #tpu.memory_space<vmem>>, vector<32x32xf32>
    %dot_general3A_36 = arith.constant dense<0.000000e+00> : vector<2048x32xf32>
    %dot_general3A_37 = tpu.matmul %get3A_32, %get3A_35, %dot_general3A_36 {dimension_numbers = #tpu.dot_dimension_numbers<[0], [0], [1], [1], [0, 1, 1, 1], [], []>, transpose_lhs_hint = false} : vector<32x2048xf32>, vector<32x32xf32>, vector<2048x32xf32> -> vector<2048x32xf32>
    %add3A_38 = arith.addf %dot_general3A_27, %dot_general3A_37 : vector<2048x32xf32>
    %get3A_39 = arith.constant 2 : index
    %get3A_40 = arith.constant 0 : index
    %get3A_41 = arith.constant 0 : index
    %get3A_42 = vector.load %arg1[%get3A_39, %get3A_40, %get3A_41] : memref<4x3x2048xf32, #tpu.memory_space<vmem>>, vector<1x3x2048xf32>
    %get3A_43 = vector.shape_cast %get3A_42 : vector<1x3x2048xf32> to vector<3x2048xf32>
    %get3A_44 = arith.constant 0 : index
    %get3A_45 = arith.constant 0 : index
    %get3A_46 = vector.load %arg3[%get3A_44, %get3A_45] : memref<3x32xf32, #tpu.memory_space<vmem>>, vector<3x32xf32>
    %dot_general3A_47 = arith.constant dense<0.000000e+00> : vector<2048x32xf32>
    %dot_general3A_48 = tpu.matmul %get3A_43, %get3A_46, %dot_general3A_47 {dimension_numbers = #tpu.dot_dimension_numbers<[0], [0], [1], [1], [0, 1, 1, 1], [], []>, transpose_lhs_hint = false} : vector<3x2048xf32>, vector<3x32xf32>, vector<2048x32xf32> -> vector<2048x32xf32>
    %get3A_49 = arith.constant 2 : index
    %get3A_50 = arith.constant 0 : index
    %get3A_51 = arith.constant 0 : index
    %get3A_52 = vector.load %arg2[%get3A_49, %get3A_50, %get3A_51] : memref<4x32x2048xf32, #tpu.memory_space<vmem>>, vector<1x32x2048xf32>
    %get3A_53 = vector.shape_cast %get3A_52 : vector<1x32x2048xf32> to vector<32x2048xf32>
    %get3A_54 = arith.constant 0 : index
    %get3A_55 = arith.constant 0 : index
    %get3A_56 = vector.load %arg4[%get3A_54, %get3A_55] : memref<32x32xf32, #tpu.memory_space<vmem>>, vector<32x32xf32>
    %dot_general3A_57 = arith.constant dense<0.000000e+00> : vector<2048x32xf32>
    %dot_general3A_58 = tpu.matmul %get3A_53, %get3A_56, %dot_general3A_57 {dimension_numbers = #tpu.dot_dimension_numbers<[0], [0], [1], [1], [0, 1, 1, 1], [], []>, transpose_lhs_hint = false} : vector<32x2048xf32>, vector<32x32xf32>, vector<2048x32xf32> -> vector<2048x32xf32>
    %add3A_59 = arith.addf %dot_general3A_48, %dot_general3A_58 : vector<2048x32xf32>
    %get3A_60 = arith.constant 3 : index
    %get3A_61 = arith.constant 0 : index
    %get3A_62 = arith.constant 0 : index
    %get3A_63 = vector.load %arg1[%get3A_60, %get3A_61, %get3A_62] : memref<4x3x2048xf32, #tpu.memory_space<vmem>>, vector<1x3x2048xf32>
    %get3A_64 = vector.shape_cast %get3A_63 : vector<1x3x2048xf32> to vector<3x2048xf32>
    %get3A_65 = arith.constant 0 : index
    %get3A_66 = arith.constant 0 : index
    %get3A_67 = vector.load %arg3[%get3A_65, %get3A_66] : memref<3x32xf32, #tpu.memory_space<vmem>>, vector<3x32xf32>
    %dot_general3A_68 = arith.constant dense<0.000000e+00> : vector<2048x32xf32>
    %dot_general3A_69 = tpu.matmul %get3A_64, %get3A_67, %dot_general3A_68 {dimension_numbers = #tpu.dot_dimension_numbers<[0], [0], [1], [1], [0, 1, 1, 1], [], []>, transpose_lhs_hint = false} : vector<3x2048xf32>, vector<3x32xf32>, vector<2048x32xf32> -> vector<2048x32xf32>
    %get3A_70 = arith.constant 3 : index
    %get3A_71 = arith.constant 0 : index
    %get3A_72 = arith.constant 0 : index
    %get3A_73 = vector.load %arg2[%get3A_70, %get3A_71, %get3A_72] : memref<4x32x2048xf32, #tpu.memory_space<vmem>>, vector<1x32x2048xf32>
    %get3A_74 = vector.shape_cast %get3A_73 : vector<1x32x2048xf32> to vector<32x2048xf32>
    %get3A_75 = arith.constant 0 : index
    %get3A_76 = arith.constant 0 : index
    %get3A_77 = vector.load %arg4[%get3A_75, %get3A_76] : memref<32x32xf32, #tpu.memory_space<vmem>>, vector<32x32xf32>
    %dot_general3A_78 = arith.constant dense<0.000000e+00> : vector<2048x32xf32>
    %dot_general3A_79 = tpu.matmul %get3A_74, %get3A_77, %dot_general3A_78 {dimension_numbers = #tpu.dot_dimension_numbers<[0], [0], [1], [1], [0, 1, 1, 1], [], []>, transpose_lhs_hint = false} : vector<32x2048xf32>, vector<32x32xf32>, vector<2048x32xf32> -> vector<2048x32xf32>
    %add3A_80 = arith.addf %dot_general3A_69, %dot_general3A_79 : vector<2048x32xf32>
    %concatenate3A = tpu.concatenate %add3A, %add3A_38, %add3A_59, %add3A_80 in 1 : vector<2048x32xf32>, vector<2048x32xf32>, vector<2048x32xf32>, vector<2048x32xf32> -> vector<2048x128xf32>
    %swap3A = arith.constant 0 : index
    %swap3A_81 = arith.constant 0 : index
    %swap3A_82 = vector.load %arg5[%swap3A, %swap3A_81] : memref<2048x128xf32, #tpu.memory_space<vmem>>, vector<2048x128xf32>
    tpu.vector_store %arg5[%swap3A, %swap3A_81], %concatenate3A {strides = array<i32>} : memref<2048x128xf32, #tpu.memory_space<vmem>>, vector<2048x128xf32>,
    return
  }
  func.func @transform_0(%arg0: i32) -> (i32, i32, i32) {
    %c0_i32 = arith.constant 0 : i32
    %c0_i32_0 = arith.constant 0 : i32
    %c0_i32_1 = arith.constant 0 : i32
    return %c0_i32, %c0_i32_0, %arg0 : i32, i32, i32
  }
  func.func @transform_1(%arg0: i32) -> (i32, i32, i32) {
    %c0_i32 = arith.constant 0 : i32
    %c0_i32_0 = arith.constant 0 : i32
    %c0_i32_1 = arith.constant 0 : i32
    return %c0_i32, %c0_i32_0, %arg0 : i32, i32, i32
  }
  func.func @transform_2(%arg0: i32) -> (i32, i32) {
    %c0_i32 = arith.constant 0 : i32
    %c0_i32_0 = arith.constant 0 : i32
    %c0_i32_1 = arith.constant 0 : i32
    return %c0_i32, %c0_i32_0 : i32, i32
  }
  func.func @transform_3(%arg0: i32) -> (i32, i32) {
    %c0_i32 = arith.constant 0 : i32
    %c0_i32_0 = arith.constant 0 : i32
    %c0_i32_1 = arith.constant 0 : i32
    return %c0_i32, %c0_i32_0 : i32, i32
  }
  func.func @transform_4(%arg0: i32) -> (i32, i32) {
    %c0_i32 = arith.constant 0 : i32
    %c0_i32_0 = arith.constant 0 : i32
    return %arg0, %c0_i32 : i32, i32
  }
}

module attributes {stable_mosaic.version = 14 : i64} {
  func.func @_stats1_kernel(%arg0: i32, %arg1: memref<2048x128xf32, #tpu.memory_space<vmem>>, %arg2: memref<128x128xf32, #tpu.memory_space<vmem>>, %arg3: memref<8x128xf32, #tpu.memory_space<vmem>>) attributes {dimension_semantics = [#tpu.dimension_semantics<arbitrary>], iteration_bounds = array<i64: 32>, scalar_prefetch = 0 : i64, scratch_operands = 0 : i64, tpu.core_type = #tpu.core_type<tc>, window_params = [{transform_indices = @transform_0, window_bounds = array<i64: 2048, 128>}, {transform_indices = @transform_1, window_bounds = array<i64: 128, 128>}, {pipeline_mode = #tpu.pipeline_mode<synchronous>, transform_indices = @transform_2, window_bounds = array<i64: 8, 128>}]} {
    %eq3A = arith.constant 0 : i32
    %eq3A_0 = arith.cmpi eq, %arg0, %eq3A : i32
    %convert_element_type3A = arith.extui %eq3A_0 : i1 to i32
    %cond3A = arith.constant 0 : i32
    %cond3A_1 = arith.cmpi ne, %convert_element_type3A, %cond3A : i32
    scf.if %cond3A_1 {
      %broadcast_in_dim3A_27 = arith.constant 0.000000e+00 : f32
      %broadcast_in_dim3A_28 = vector.broadcast %broadcast_in_dim3A_27 : f32 to vector<8x128xf32>
      %swap3A_29 = arith.constant 0 : index
      %swap3A_30 = arith.constant 0 : index
      %swap3A_31 = vector.load %arg3[%swap3A_29, %swap3A_30] : memref<8x128xf32, #tpu.memory_space<vmem>>, vector<8x128xf32>
      tpu.vector_store %arg3[%swap3A_29, %swap3A_30], %broadcast_in_dim3A_28 {strides = array<i32>} : memref<8x128xf32, #tpu.memory_space<vmem>>, vector<8x128xf32>,
    } else {
    }
    %get3A = arith.constant 0 : index
    %get3A_2 = arith.constant 0 : index
    %get3A_3 = vector.load %arg1[%get3A, %get3A_2] : memref<2048x128xf32, #tpu.memory_space<vmem>>, vector<2048x128xf32>
    %get3A_4 = arith.constant 0 : index
    %get3A_5 = arith.constant 0 : index
    %get3A_6 = vector.load %arg2[%get3A_4, %get3A_5] : memref<128x128xf32, #tpu.memory_space<vmem>>, vector<128x128xf32>
    %broadcast_in_dim3A = vector.shape_cast %get3A_6 : vector<128x128xf32> to vector<128x1x128xf32>
    %broadcast_in_dim3A_7 = vector.shape_cast %broadcast_in_dim3A : vector<128x1x128xf32> to vector<128x1x128xf32>
    %broadcast_in_dim3A_8 = vector.broadcast %broadcast_in_dim3A_7 : vector<128x1x128xf32> to vector<128x16x128xf32>
    %reshape3A = vector.shape_cast %broadcast_in_dim3A_8 : vector<128x16x128xf32> to vector<2048x128xf32>
    %add3A = arith.addf %get3A_3, %reshape3A : vector<2048x128xf32>
    %broadcast_in_dim3A_9 = arith.constant 1.000000e+00 : f32
    %broadcast_in_dim3A_10 = vector.broadcast %broadcast_in_dim3A_9 : f32 to vector<1x2048xf32>
    %get3A_11 = arith.constant 0 : index
    %get3A_12 = arith.constant 0 : index
    %get3A_13 = vector.load %arg3[%get3A_11, %get3A_12] : memref<8x128xf32, #tpu.memory_space<vmem>>, vector<1x128xf32>
    %dot_general3A = arith.constant dense<0.000000e+00> : vector<1x128xf32>
    %dot_general3A_14 = tpu.matmul %broadcast_in_dim3A_10, %add3A, %dot_general3A {dimension_numbers = #tpu.dot_dimension_numbers<[1], [0], [0], [1], [0, 0, 1, 1], [], []>, transpose_lhs_hint = false} : vector<1x2048xf32>, vector<2048x128xf32>, vector<1x128xf32> -> vector<1x128xf32>
    %add3A_15 = arith.addf %get3A_13, %dot_general3A_14 : vector<1x128xf32>
    %swap3A = arith.constant 0 : index
    %swap3A_16 = arith.constant 0 : index
    %swap3A_17 = vector.load %arg3[%swap3A, %swap3A_16] : memref<8x128xf32, #tpu.memory_space<vmem>>, vector<1x128xf32>
    tpu.vector_store %arg3[%swap3A, %swap3A_16], %add3A_15 {strides = array<i32>} : memref<8x128xf32, #tpu.memory_space<vmem>>, vector<1x128xf32>,
    %get3A_18 = arith.constant 1 : index
    %get3A_19 = arith.constant 0 : index
    %get3A_20 = vector.load %arg3[%get3A_18, %get3A_19] : memref<8x128xf32, #tpu.memory_space<vmem>>, vector<1x128xf32>
    %mul3A = arith.mulf %add3A, %add3A : vector<2048x128xf32>
    %dot_general3A_21 = arith.constant dense<0.000000e+00> : vector<1x128xf32>
    %dot_general3A_22 = tpu.matmul %broadcast_in_dim3A_10, %mul3A, %dot_general3A_21 {dimension_numbers = #tpu.dot_dimension_numbers<[1], [0], [0], [1], [0, 0, 1, 1], [], []>, transpose_lhs_hint = false} : vector<1x2048xf32>, vector<2048x128xf32>, vector<1x128xf32> -> vector<1x128xf32>
    %add3A_23 = arith.addf %get3A_20, %dot_general3A_22 : vector<1x128xf32>
    %swap3A_24 = arith.constant 1 : index
    %swap3A_25 = arith.constant 0 : index
    %swap3A_26 = vector.load %arg3[%swap3A_24, %swap3A_25] : memref<8x128xf32, #tpu.memory_space<vmem>>, vector<1x128xf32>
    tpu.vector_store %arg3[%swap3A_24, %swap3A_25], %add3A_23 {strides = array<i32>} : memref<8x128xf32, #tpu.memory_space<vmem>>, vector<1x128xf32>,
    return
  }
  func.func @transform_0(%arg0: i32) -> (i32, i32) {
    %c0_i32 = arith.constant 0 : i32
    %c0_i32_0 = arith.constant 0 : i32
    return %arg0, %c0_i32 : i32, i32
  }
  func.func @transform_1(%arg0: i32) -> (i32, i32) {
    %c0_i32 = arith.constant 0 : i32
    %c0_i32_0 = arith.constant 0 : i32
    return %arg0, %c0_i32 : i32, i32
  }
  func.func @transform_2(%arg0: i32) -> (i32, i32) {
    %c0_i32 = arith.constant 0 : i32
    %c0_i32_0 = arith.constant 0 : i32
    %c0_i32_1 = arith.constant 0 : i32
    return %c0_i32, %c0_i32_0 : i32, i32
  }
}

module attributes {stable_mosaic.version = 14 : i64} {
  func.func @_proj_c_kernel(%arg0: i32, %arg1: memref<4x3x2048xf32, #tpu.memory_space<vmem>>, %arg2: memref<4x32x2048xf32, #tpu.memory_space<vmem>>, %arg3: memref<3x32xf32, #tpu.memory_space<vmem>>, %arg4: memref<32x32xf32, #tpu.memory_space<vmem>>, %arg5: memref<1x32xf32, #tpu.memory_space<vmem>>, %arg6: memref<2048x128xf32, #tpu.memory_space<vmem>>, %arg7: memref<2048x128xf32, #tpu.memory_space<vmem>>) attributes {dimension_semantics = [#tpu.dimension_semantics<arbitrary>], iteration_bounds = array<i64: 2>, scalar_prefetch = 0 : i64, scratch_operands = 0 : i64, tpu.core_type = #tpu.core_type<tc>, window_params = [{transform_indices = @transform_0, window_bounds = array<i64: 4, 3, 2048>}, {transform_indices = @transform_1, window_bounds = array<i64: 4, 32, 2048>}, {pipeline_mode = #tpu.pipeline_mode<synchronous>, transform_indices = @transform_2, window_bounds = array<i64: 3, 32>}, {pipeline_mode = #tpu.pipeline_mode<synchronous>, transform_indices = @transform_3, window_bounds = array<i64: 32, 32>}, {pipeline_mode = #tpu.pipeline_mode<synchronous>, transform_indices = @transform_4, window_bounds = array<i64: 1, 32>}, {transform_indices = @transform_5, window_bounds = array<i64: 2048, 128>}, {transform_indices = @transform_6, window_bounds = array<i64: 2048, 128>}]} {
    %get3A = arith.constant 0 : index
    %get3A_0 = arith.constant 0 : index
    %get3A_1 = vector.load %arg5[%get3A, %get3A_0] : memref<1x32xf32, #tpu.memory_space<vmem>>, vector<1x32xf32>
    %get3A_2 = arith.constant 0 : index
    %get3A_3 = arith.constant 0 : index
    %get3A_4 = arith.constant 0 : index
    %get3A_5 = vector.load %arg1[%get3A_2, %get3A_3, %get3A_4] : memref<4x3x2048xf32, #tpu.memory_space<vmem>>, vector<1x3x2048xf32>
    %get3A_6 = vector.shape_cast %get3A_5 : vector<1x3x2048xf32> to vector<3x2048xf32>
    %get3A_7 = arith.constant 0 : index
    %get3A_8 = arith.constant 0 : index
    %get3A_9 = vector.load %arg3[%get3A_7, %get3A_8] : memref<3x32xf32, #tpu.memory_space<vmem>>, vector<3x32xf32>
    %dot_general3A = arith.constant dense<0.000000e+00> : vector<2048x32xf32>
    %dot_general3A_10 = tpu.matmul %get3A_6, %get3A_9, %dot_general3A {dimension_numbers = #tpu.dot_dimension_numbers<[0], [0], [1], [1], [0, 1, 1, 1], [], []>, transpose_lhs_hint = false} : vector<3x2048xf32>, vector<3x32xf32>, vector<2048x32xf32> -> vector<2048x32xf32>
    %sub3A = vector.broadcast %get3A_1 : vector<1x32xf32> to vector<2048x32xf32>
    %sub3A_11 = arith.subf %sub3A, %dot_general3A_10 : vector<2048x32xf32>
    %get3A_12 = arith.constant 0 : index
    %get3A_13 = arith.constant 0 : index
    %get3A_14 = arith.constant 0 : index
    %get3A_15 = vector.load %arg2[%get3A_12, %get3A_13, %get3A_14] : memref<4x32x2048xf32, #tpu.memory_space<vmem>>, vector<1x32x2048xf32>
    %get3A_16 = vector.shape_cast %get3A_15 : vector<1x32x2048xf32> to vector<32x2048xf32>
    %get3A_17 = arith.constant 0 : index
    %get3A_18 = arith.constant 0 : index
    %get3A_19 = vector.load %arg4[%get3A_17, %get3A_18] : memref<32x32xf32, #tpu.memory_space<vmem>>, vector<32x32xf32>
    %dot_general3A_20 = arith.constant dense<0.000000e+00> : vector<2048x32xf32>
    %dot_general3A_21 = tpu.matmul %get3A_16, %get3A_19, %dot_general3A_20 {dimension_numbers = #tpu.dot_dimension_numbers<[0], [0], [1], [1], [0, 1, 1, 1], [], []>, transpose_lhs_hint = false} : vector<32x2048xf32>, vector<32x32xf32>, vector<2048x32xf32> -> vector<2048x32xf32>
    %get3A_22 = arith.constant 0 : index
    %get3A_23 = arith.constant 0 : index
    %get3A_24 = vector.load %arg5[%get3A_22, %get3A_23] : memref<1x32xf32, #tpu.memory_space<vmem>>, vector<1x32xf32>
    %get3A_25 = arith.constant 1 : index
    %get3A_26 = arith.constant 0 : index
    %get3A_27 = arith.constant 0 : index
    %get3A_28 = vector.load %arg1[%get3A_25, %get3A_26, %get3A_27] : memref<4x3x2048xf32, #tpu.memory_space<vmem>>, vector<1x3x2048xf32>
    %get3A_29 = vector.shape_cast %get3A_28 : vector<1x3x2048xf32> to vector<3x2048xf32>
    %get3A_30 = arith.constant 0 : index
    %get3A_31 = arith.constant 0 : index
    %get3A_32 = vector.load %arg3[%get3A_30, %get3A_31] : memref<3x32xf32, #tpu.memory_space<vmem>>, vector<3x32xf32>
    %dot_general3A_33 = arith.constant dense<0.000000e+00> : vector<2048x32xf32>
    %dot_general3A_34 = tpu.matmul %get3A_29, %get3A_32, %dot_general3A_33 {dimension_numbers = #tpu.dot_dimension_numbers<[0], [0], [1], [1], [0, 1, 1, 1], [], []>, transpose_lhs_hint = false} : vector<3x2048xf32>, vector<3x32xf32>, vector<2048x32xf32> -> vector<2048x32xf32>
    %sub3A_35 = vector.broadcast %get3A_24 : vector<1x32xf32> to vector<2048x32xf32>
    %sub3A_36 = arith.subf %sub3A_35, %dot_general3A_34 : vector<2048x32xf32>
    %get3A_37 = arith.constant 1 : index
    %get3A_38 = arith.constant 0 : index
    %get3A_39 = arith.constant 0 : index
    %get3A_40 = vector.load %arg2[%get3A_37, %get3A_38, %get3A_39] : memref<4x32x2048xf32, #tpu.memory_space<vmem>>, vector<1x32x2048xf32>
    %get3A_41 = vector.shape_cast %get3A_40 : vector<1x32x2048xf32> to vector<32x2048xf32>
    %get3A_42 = arith.constant 0 : index
    %get3A_43 = arith.constant 0 : index
    %get3A_44 = vector.load %arg4[%get3A_42, %get3A_43] : memref<32x32xf32, #tpu.memory_space<vmem>>, vector<32x32xf32>
    %dot_general3A_45 = arith.constant dense<0.000000e+00> : vector<2048x32xf32>
    %dot_general3A_46 = tpu.matmul %get3A_41, %get3A_44, %dot_general3A_45 {dimension_numbers = #tpu.dot_dimension_numbers<[0], [0], [1], [1], [0, 1, 1, 1], [], []>, transpose_lhs_hint = false} : vector<32x2048xf32>, vector<32x32xf32>, vector<2048x32xf32> -> vector<2048x32xf32>
    %get3A_47 = arith.constant 0 : index
    %get3A_48 = arith.constant 0 : index
    %get3A_49 = vector.load %arg5[%get3A_47, %get3A_48] : memref<1x32xf32, #tpu.memory_space<vmem>>, vector<1x32xf32>
    %get3A_50 = arith.constant 2 : index
    %get3A_51 = arith.constant 0 : index
    %get3A_52 = arith.constant 0 : index
    %get3A_53 = vector.load %arg1[%get3A_50, %get3A_51, %get3A_52] : memref<4x3x2048xf32, #tpu.memory_space<vmem>>, vector<1x3x2048xf32>
    %get3A_54 = vector.shape_cast %get3A_53 : vector<1x3x2048xf32> to vector<3x2048xf32>
    %get3A_55 = arith.constant 0 : index
    %get3A_56 = arith.constant 0 : index
    %get3A_57 = vector.load %arg3[%get3A_55, %get3A_56] : memref<3x32xf32, #tpu.memory_space<vmem>>, vector<3x32xf32>
    %dot_general3A_58 = arith.constant dense<0.000000e+00> : vector<2048x32xf32>
    %dot_general3A_59 = tpu.matmul %get3A_54, %get3A_57, %dot_general3A_58 {dimension_numbers = #tpu.dot_dimension_numbers<[0], [0], [1], [1], [0, 1, 1, 1], [], []>, transpose_lhs_hint = false} : vector<3x2048xf32>, vector<3x32xf32>, vector<2048x32xf32> -> vector<2048x32xf32>
    %sub3A_60 = vector.broadcast %get3A_49 : vector<1x32xf32> to vector<2048x32xf32>
    %sub3A_61 = arith.subf %sub3A_60, %dot_general3A_59 : vector<2048x32xf32>
    %get3A_62 = arith.constant 2 : index
    %get3A_63 = arith.constant 0 : index
    %get3A_64 = arith.constant 0 : index
    %get3A_65 = vector.load %arg2[%get3A_62, %get3A_63, %get3A_64] : memref<4x32x2048xf32, #tpu.memory_space<vmem>>, vector<1x32x2048xf32>
    %get3A_66 = vector.shape_cast %get3A_65 : vector<1x32x2048xf32> to vector<32x2048xf32>
    %get3A_67 = arith.constant 0 : index
    %get3A_68 = arith.constant 0 : index
    %get3A_69 = vector.load %arg4[%get3A_67, %get3A_68] : memref<32x32xf32, #tpu.memory_space<vmem>>, vector<32x32xf32>
    %dot_general3A_70 = arith.constant dense<0.000000e+00> : vector<2048x32xf32>
    %dot_general3A_71 = tpu.matmul %get3A_66, %get3A_69, %dot_general3A_70 {dimension_numbers = #tpu.dot_dimension_numbers<[0], [0], [1], [1], [0, 1, 1, 1], [], []>, transpose_lhs_hint = false} : vector<32x2048xf32>, vector<32x32xf32>, vector<2048x32xf32> -> vector<2048x32xf32>
    %get3A_72 = arith.constant 0 : index
    %get3A_73 = arith.constant 0 : index
    %get3A_74 = vector.load %arg5[%get3A_72, %get3A_73] : memref<1x32xf32, #tpu.memory_space<vmem>>, vector<1x32xf32>
    %get3A_75 = arith.constant 3 : index
    %get3A_76 = arith.constant 0 : index
    %get3A_77 = arith.constant 0 : index
    %get3A_78 = vector.load %arg1[%get3A_75, %get3A_76, %get3A_77] : memref<4x3x2048xf32, #tpu.memory_space<vmem>>, vector<1x3x2048xf32>
    %get3A_79 = vector.shape_cast %get3A_78 : vector<1x3x2048xf32> to vector<3x2048xf32>
    %get3A_80 = arith.constant 0 : index
    %get3A_81 = arith.constant 0 : index
    %get3A_82 = vector.load %arg3[%get3A_80, %get3A_81] : memref<3x32xf32, #tpu.memory_space<vmem>>, vector<3x32xf32>
    %dot_general3A_83 = arith.constant dense<0.000000e+00> : vector<2048x32xf32>
    %dot_general3A_84 = tpu.matmul %get3A_79, %get3A_82, %dot_general3A_83 {dimension_numbers = #tpu.dot_dimension_numbers<[0], [0], [1], [1], [0, 1, 1, 1], [], []>, transpose_lhs_hint = false} : vector<3x2048xf32>, vector<3x32xf32>, vector<2048x32xf32> -> vector<2048x32xf32>
    %sub3A_85 = vector.broadcast %get3A_74 : vector<1x32xf32> to vector<2048x32xf32>
    %sub3A_86 = arith.subf %sub3A_85, %dot_general3A_84 : vector<2048x32xf32>
    %get3A_87 = arith.constant 3 : index
    %get3A_88 = arith.constant 0 : index
    %get3A_89 = arith.constant 0 : index
    %get3A_90 = vector.load %arg2[%get3A_87, %get3A_88, %get3A_89] : memref<4x32x2048xf32, #tpu.memory_space<vmem>>, vector<1x32x2048xf32>
    %get3A_91 = vector.shape_cast %get3A_90 : vector<1x32x2048xf32> to vector<32x2048xf32>
    %get3A_92 = arith.constant 0 : index
    %get3A_93 = arith.constant 0 : index
    %get3A_94 = vector.load %arg4[%get3A_92, %get3A_93] : memref<32x32xf32, #tpu.memory_space<vmem>>, vector<32x32xf32>
    %dot_general3A_95 = arith.constant dense<0.000000e+00> : vector<2048x32xf32>
    %dot_general3A_96 = tpu.matmul %get3A_91, %get3A_94, %dot_general3A_95 {dimension_numbers = #tpu.dot_dimension_numbers<[0], [0], [1], [1], [0, 1, 1, 1], [], []>, transpose_lhs_hint = false} : vector<32x2048xf32>, vector<32x32xf32>, vector<2048x32xf32> -> vector<2048x32xf32>
    %concatenate3A = tpu.concatenate %sub3A_11, %sub3A_36, %sub3A_61, %sub3A_86 in 1 : vector<2048x32xf32>, vector<2048x32xf32>, vector<2048x32xf32>, vector<2048x32xf32> -> vector<2048x128xf32>
    %swap3A = arith.constant 0 : index
    %swap3A_97 = arith.constant 0 : index
    %swap3A_98 = vector.load %arg6[%swap3A, %swap3A_97] : memref<2048x128xf32, #tpu.memory_space<vmem>>, vector<2048x128xf32>
    tpu.vector_store %arg6[%swap3A, %swap3A_97], %concatenate3A {strides = array<i32>} : memref<2048x128xf32, #tpu.memory_space<vmem>>, vector<2048x128xf32>,
    %concatenate3A_99 = tpu.concatenate %dot_general3A_21, %dot_general3A_46, %dot_general3A_71, %dot_general3A_96 in 1 : vector<2048x32xf32>, vector<2048x32xf32>, vector<2048x32xf32>, vector<2048x32xf32> -> vector<2048x128xf32>
    %swap3A_100 = arith.constant 0 : index
    %swap3A_101 = arith.constant 0 : index
    %swap3A_102 = vector.load %arg7[%swap3A_100, %swap3A_101] : memref<2048x128xf32, #tpu.memory_space<vmem>>, vector<2048x128xf32>
    tpu.vector_store %arg7[%swap3A_100, %swap3A_101], %concatenate3A_99 {strides = array<i32>} : memref<2048x128xf32, #tpu.memory_space<vmem>>, vector<2048x128xf32>,
    return
  }
  func.func @transform_0(%arg0: i32) -> (i32, i32, i32) {
    %c0_i32 = arith.constant 0 : i32
    %c0_i32_0 = arith.constant 0 : i32
    %c0_i32_1 = arith.constant 0 : i32
    return %c0_i32, %c0_i32_0, %arg0 : i32, i32, i32
  }
  func.func @transform_1(%arg0: i32) -> (i32, i32, i32) {
    %c0_i32 = arith.constant 0 : i32
    %c0_i32_0 = arith.constant 0 : i32
    %c0_i32_1 = arith.constant 0 : i32
    return %c0_i32, %c0_i32_0, %arg0 : i32, i32, i32
  }
  func.func @transform_2(%arg0: i32) -> (i32, i32) {
    %c0_i32 = arith.constant 0 : i32
    %c0_i32_0 = arith.constant 0 : i32
    %c0_i32_1 = arith.constant 0 : i32
    return %c0_i32, %c0_i32_0 : i32, i32
  }
  func.func @transform_3(%arg0: i32) -> (i32, i32) {
    %c0_i32 = arith.constant 0 : i32
    %c0_i32_0 = arith.constant 0 : i32
    %c0_i32_1 = arith.constant 0 : i32
    return %c0_i32, %c0_i32_0 : i32, i32
  }
  func.func @transform_4(%arg0: i32) -> (i32, i32) {
    %c0_i32 = arith.constant 0 : i32
    %c0_i32_0 = arith.constant 0 : i32
    %c0_i32_1 = arith.constant 0 : i32
    return %c0_i32, %c0_i32_0 : i32, i32
  }
  func.func @transform_5(%arg0: i32) -> (i32, i32) {
    %c0_i32 = arith.constant 0 : i32
    %c0_i32_0 = arith.constant 0 : i32
    return %arg0, %c0_i32 : i32, i32
  }
  func.func @transform_6(%arg0: i32) -> (i32, i32) {
    %c0_i32 = arith.constant 0 : i32
    %c0_i32_0 = arith.constant 0 : i32
    return %arg0, %c0_i32 : i32, i32
  }
}

module attributes {stable_mosaic.version = 14 : i64} {
  func.func @_stats2_kernel(%arg0: i32, %arg1: memref<2048x128xf32, #tpu.memory_space<vmem>>, %arg2: memref<128x128xf32, #tpu.memory_space<vmem>>, %arg3: memref<8x128xf32, #tpu.memory_space<vmem>>, %arg4: memref<8x128xf32, #tpu.memory_space<vmem>>, %arg5: memref<128x128xf32, #tpu.memory_space<vmem>>, %arg6: memref<2048x128xf32, #tpu.memory_space<vmem>>, %arg7: memref<8x128xf32, #tpu.memory_space<vmem>>) attributes {dimension_semantics = [#tpu.dimension_semantics<arbitrary>], iteration_bounds = array<i64: 32>, scalar_prefetch = 0 : i64, scratch_operands = 0 : i64, tpu.core_type = #tpu.core_type<tc>, window_params = [{transform_indices = @transform_0, window_bounds = array<i64: 2048, 128>}, {transform_indices = @transform_1, window_bounds = array<i64: 128, 128>}, {pipeline_mode = #tpu.pipeline_mode<synchronous>, transform_indices = @transform_2, window_bounds = array<i64: 8, 128>}, {pipeline_mode = #tpu.pipeline_mode<synchronous>, transform_indices = @transform_3, window_bounds = array<i64: 8, 128>}, {pipeline_mode = #tpu.pipeline_mode<synchronous>, transform_indices = @transform_4, window_bounds = array<i64: 128, 128>}, {transform_indices = @transform_5, window_bounds = array<i64: 2048, 128>}, {pipeline_mode = #tpu.pipeline_mode<synchronous>, transform_indices = @transform_6, window_bounds = array<i64: 8, 128>}]} {
    %eq3A = arith.constant 0 : i32
    %eq3A_0 = arith.cmpi eq, %arg0, %eq3A : i32
    %convert_element_type3A = arith.extui %eq3A_0 : i1 to i32
    %cond3A = arith.constant 0 : i32
    %cond3A_1 = arith.cmpi ne, %convert_element_type3A, %cond3A : i32
    scf.if %cond3A_1 {
      %broadcast_in_dim3A_133 = arith.constant 0.000000e+00 : f32
      %broadcast_in_dim3A_134 = vector.broadcast %broadcast_in_dim3A_133 : f32 to vector<8x128xf32>
      %swap3A_135 = arith.constant 0 : index
      %swap3A_136 = arith.constant 0 : index
      %swap3A_137 = vector.load %arg7[%swap3A_135, %swap3A_136] : memref<8x128xf32, #tpu.memory_space<vmem>>, vector<8x128xf32>
      tpu.vector_store %arg7[%swap3A_135, %swap3A_136], %broadcast_in_dim3A_134 {strides = array<i32>} : memref<8x128xf32, #tpu.memory_space<vmem>>, vector<8x128xf32>,
    } else {
    }
    %get3A = arith.constant 1 : index
    %get3A_2 = arith.constant 0 : index
    %get3A_3 = vector.load %arg4[%get3A, %get3A_2] : memref<8x128xf32, #tpu.memory_space<vmem>>, vector<1x128xf32>
    %get3A_4 = arith.constant 2 : index
    %get3A_5 = arith.constant 0 : index
    %get3A_6 = vector.load %arg4[%get3A_4, %get3A_5] : memref<8x128xf32, #tpu.memory_space<vmem>>, vector<1x128xf32>
    %get3A_7 = arith.constant 0 : index
    %get3A_8 = arith.constant 0 : index
    %get3A_9 = vector.load %arg3[%get3A_7, %get3A_8] : memref<8x128xf32, #tpu.memory_space<vmem>>, vector<1x128xf32>
    %slice3A = vector.extract_strided_slice %get3A_9 {offsets = [0, 0], sizes = [1, 32], strides = [1, 1]} : vector<1x128xf32> to vector<1x32xf32>
    %slice3A_10 = vector.extract_strided_slice %get3A_9 {offsets = [0, 32], sizes = [1, 32], strides = [1, 1]} : vector<1x128xf32> to vector<1x32xf32>
    %add3A = arith.addf %slice3A, %slice3A_10 : vector<1x32xf32>
    %slice3A_11 = vector.extract_strided_slice %get3A_9 {offsets = [0, 64], sizes = [1, 32], strides = [1, 1]} : vector<1x128xf32> to vector<1x32xf32>
    %add3A_12 = arith.addf %add3A, %slice3A_11 : vector<1x32xf32>
    %slice3A_13 = vector.extract_strided_slice %get3A_9 {offsets = [0, 96], sizes = [1, 32], strides = [1, 1]} : vector<1x128xf32> to vector<1x32xf32>
    %add3A_14 = arith.addf %add3A_12, %slice3A_13 : vector<1x32xf32>
    %concatenate3A = tpu.concatenate %add3A_14, %add3A_14, %add3A_14, %add3A_14 in 1 : vector<1x32xf32>, vector<1x32xf32>, vector<1x32xf32>, vector<1x32xf32> -> vector<1x128xf32>
    %get3A_15 = arith.constant 1 : index
    %get3A_16 = arith.constant 0 : index
    %get3A_17 = vector.load %arg3[%get3A_15, %get3A_16] : memref<8x128xf32, #tpu.memory_space<vmem>>, vector<1x128xf32>
    %slice3A_18 = vector.extract_strided_slice %get3A_17 {offsets = [0, 0], sizes = [1, 32], strides = [1, 1]} : vector<1x128xf32> to vector<1x32xf32>
    %slice3A_19 = vector.extract_strided_slice %get3A_17 {offsets = [0, 32], sizes = [1, 32], strides = [1, 1]} : vector<1x128xf32> to vector<1x32xf32>
    %add3A_20 = arith.addf %slice3A_18, %slice3A_19 : vector<1x32xf32>
    %slice3A_21 = vector.extract_strided_slice %get3A_17 {offsets = [0, 64], sizes = [1, 32], strides = [1, 1]} : vector<1x128xf32> to vector<1x32xf32>
    %add3A_22 = arith.addf %add3A_20, %slice3A_21 : vector<1x32xf32>
    %slice3A_23 = vector.extract_strided_slice %get3A_17 {offsets = [0, 96], sizes = [1, 32], strides = [1, 1]} : vector<1x128xf32> to vector<1x32xf32>
    %add3A_24 = arith.addf %add3A_22, %slice3A_23 : vector<1x32xf32>
    %concatenate3A_25 = tpu.concatenate %add3A_24, %add3A_24, %add3A_24, %add3A_24 in 1 : vector<1x32xf32>, vector<1x32xf32>, vector<1x32xf32>, vector<1x32xf32> -> vector<1x128xf32>
    %mul3A = arith.constant 3.81469727E-6 : f32
    %mul3A_26 = vector.broadcast %mul3A : f32 to vector<1x128xf32>
    %mul3A_27 = arith.mulf %concatenate3A, %mul3A_26 : vector<1x128xf32>
    %mul3A_28 = arith.constant 3.81469727E-6 : f32
    %mul3A_29 = vector.broadcast %mul3A_28 : f32 to vector<1x128xf32>
    %mul3A_30 = arith.mulf %concatenate3A_25, %mul3A_29 : vector<1x128xf32>
    %mul3A_31 = arith.mulf %mul3A_27, %mul3A_27 : vector<1x128xf32>
    %sub3A = arith.subf %mul3A_30, %mul3A_31 : vector<1x128xf32>
    %add3A_32 = arith.constant 9.99999974E-6 : f32
    %add3A_33 = vector.broadcast %add3A_32 : f32 to vector<1x128xf32>
    %add3A_34 = arith.addf %sub3A, %add3A_33 : vector<1x128xf32>
    %rsqrt3A = math.rsqrt %add3A_34 : vector<1x128xf32>
    %mul3A_35 = arith.mulf %get3A_3, %rsqrt3A : vector<1x128xf32>
    %mul3A_36 = arith.mulf %mul3A_27, %mul3A_35 : vector<1x128xf32>
    %sub3A_37 = arith.subf %get3A_6, %mul3A_36 : vector<1x128xf32>
    %get3A_38 = arith.constant 0 : index
    %get3A_39 = arith.constant 0 : index
    %get3A_40 = vector.load %arg2[%get3A_38, %get3A_39] : memref<128x128xf32, #tpu.memory_space<vmem>>, vector<128x128xf32>
    %mul3A_41 = vector.broadcast %mul3A_35 : vector<1x128xf32> to vector<128x128xf32>
    %mul3A_42 = arith.mulf %mul3A_41, %get3A_40 : vector<128x128xf32>
    %add3A_43 = vector.broadcast %sub3A_37 : vector<1x128xf32> to vector<128x128xf32>
    %add3A_44 = arith.addf %mul3A_42, %add3A_43 : vector<128x128xf32>
    %broadcast_in_dim3A = vector.shape_cast %add3A_44 : vector<128x128xf32> to vector<128x1x128xf32>
    %broadcast_in_dim3A_45 = vector.shape_cast %broadcast_in_dim3A : vector<128x1x128xf32> to vector<128x1x128xf32>
    %broadcast_in_dim3A_46 = vector.broadcast %broadcast_in_dim3A_45 : vector<128x1x128xf32> to vector<128x16x128xf32>
    %reshape3A = vector.shape_cast %broadcast_in_dim3A_46 : vector<128x16x128xf32> to vector<2048x128xf32>
    %get3A_47 = arith.constant 0 : index
    %get3A_48 = arith.constant 0 : index
    %get3A_49 = vector.load %arg1[%get3A_47, %get3A_48] : memref<2048x128xf32, #tpu.memory_space<vmem>>, vector<2048x128xf32>
    %mul3A_50 = vector.broadcast %mul3A_35 : vector<1x128xf32> to vector<2048x128xf32>
    %mul3A_51 = arith.mulf %mul3A_50, %get3A_49 : vector<2048x128xf32>
    %add3A_52 = arith.addf %mul3A_51, %reshape3A : vector<2048x128xf32>
    %jit3A = arith.constant -4.000000e+00 : f32
    %jit3A_53 = arith.constant 4.000000e+00 : f32
    %max3A = vector.broadcast %jit3A : f32 to vector<2048x128xf32>
    %max3A_54 = arith.maximumf %max3A, %add3A_52 : vector<2048x128xf32>
    %min3A = vector.broadcast %jit3A_53 : f32 to vector<2048x128xf32>
    %min3A_55 = arith.minimumf %min3A, %max3A_54 : vector<2048x128xf32>
    %mul3A_56 = arith.mulf %min3A_55, %min3A_55 : vector<2048x128xf32>
    %mul3A_57 = arith.constant -3.16276627E-9 : f32
    %mul3A_58 = vector.broadcast %mul3A_57 : f32 to vector<2048x128xf32>
    %mul3A_59 = arith.mulf %mul3A_58, %mul3A_56 : vector<2048x128xf32>
    %add3A_60 = arith.constant 2.43488813E-7 : f32
    %add3A_61 = vector.broadcast %add3A_60 : f32 to vector<2048x128xf32>
    %add3A_62 = arith.addf %mul3A_59, %add3A_61 : vector<2048x128xf32>
    %mul3A_63 = arith.mulf %add3A_62, %mul3A_56 : vector<2048x128xf32>
    %add3A_64 = arith.constant -8.20320747E-6 : f32
    %add3A_65 = vector.broadcast %add3A_64 : f32 to vector<2048x128xf32>
    %add3A_66 = arith.addf %mul3A_63, %add3A_65 : vector<2048x128xf32>
    %mul3A_67 = arith.mulf %add3A_66, %mul3A_56 : vector<2048x128xf32>
    %add3A_68 = arith.constant 1.61351258E-4 : f32
    %add3A_69 = vector.broadcast %add3A_68 : f32 to vector<2048x128xf32>
    %add3A_70 = arith.addf %mul3A_67, %add3A_69 : vector<2048x128xf32>
    %mul3A_71 = arith.mulf %add3A_70, %mul3A_56 : vector<2048x128xf32>
    %add3A_72 = arith.constant -0.00209650607 : f32
    %add3A_73 = vector.broadcast %add3A_72 : f32 to vector<2048x128xf32>
    %add3A_74 = arith.addf %mul3A_71, %add3A_73 : vector<2048x128xf32>
    %mul3A_75 = arith.mulf %add3A_74, %mul3A_56 : vector<2048x128xf32>
    %add3A_76 = arith.constant 0.0193300396 : f32
    %add3A_77 = vector.broadcast %add3A_76 : f32 to vector<2048x128xf32>
    %add3A_78 = arith.addf %mul3A_75, %add3A_77 : vector<2048x128xf32>
    %mul3A_79 = arith.mulf %add3A_78, %mul3A_56 : vector<2048x128xf32>
    %add3A_80 = arith.constant -0.13235113 : f32
    %add3A_81 = vector.broadcast %add3A_80 : f32 to vector<2048x128xf32>
    %add3A_82 = arith.addf %mul3A_79, %add3A_81 : vector<2048x128xf32>
    %mul3A_83 = arith.mulf %add3A_82, %mul3A_56 : vector<2048x128xf32>
    %add3A_84 = arith.constant 0.797695159 : f32
    %add3A_85 = vector.broadcast %add3A_84 : f32 to vector<2048x128xf32>
    %add3A_86 = arith.addf %mul3A_83, %add3A_85 : vector<2048x128xf32>
    %mul3A_87 = arith.mulf %add3A_86, %min3A_55 : vector<2048x128xf32>
    %jit3A_88 = arith.constant -1.000000e+00 : f32
    %jit3A_89 = arith.constant 1.000000e+00 : f32
    %max3A_90 = vector.broadcast %jit3A_88 : f32 to vector<2048x128xf32>
    %max3A_91 = arith.maximumf %max3A_90, %mul3A_87 : vector<2048x128xf32>
    %min3A_92 = vector.broadcast %jit3A_89 : f32 to vector<2048x128xf32>
    %min3A_93 = arith.minimumf %min3A_92, %max3A_91 : vector<2048x128xf32>
    %mul3A_94 = arith.constant 5.000000e-01 : f32
    %mul3A_95 = vector.broadcast %mul3A_94 : f32 to vector<2048x128xf32>
    %mul3A_96 = arith.mulf %mul3A_95, %add3A_52 : vector<2048x128xf32>
    %add3A_97 = arith.constant 1.000000e+00 : f32
    %add3A_98 = vector.broadcast %add3A_97 : f32 to vector<2048x128xf32>
    %add3A_99 = arith.addf %add3A_98, %min3A_93 : vector<2048x128xf32>
    %mul3A_100 = arith.mulf %mul3A_96, %add3A_99 : vector<2048x128xf32>
    %get3A_101 = arith.constant 0 : index
    %get3A_102 = arith.constant 0 : index
    %get3A_103 = vector.load %arg5[%get3A_101, %get3A_102] : memref<128x128xf32, #tpu.memory_space<vmem>>, vector<128x128xf32>
    %dot_general3A = arith.constant dense<0.000000e+00> : vector<2048x128xf32>
    %dot_general3A_104 = tpu.matmul %mul3A_100, %get3A_103, %dot_general3A {dimension_numbers = #tpu.dot_dimension_numbers<[1], [0], [0], [1], [0, 0, 1, 1], [], []>, transpose_lhs_hint = false} : vector<2048x128xf32>, vector<128x128xf32>, vector<2048x128xf32> -> vector<2048x128xf32>
    %get3A_105 = arith.constant 3 : index
    %get3A_106 = arith.constant 0 : index
    %get3A_107 = vector.load %arg4[%get3A_105, %get3A_106] : memref<8x128xf32, #tpu.memory_space<vmem>>, vector<1x128xf32>
    %add3A_108 = vector.broadcast %get3A_107 : vector<1x128xf32> to vector<2048x128xf32>
    %add3A_109 = arith.addf %dot_general3A_104, %add3A_108 : vector<2048x128xf32>
    %swap3A = arith.constant 0 : index
    %swap3A_110 = arith.constant 0 : index
    %swap3A_111 = vector.load %arg6[%swap3A, %swap3A_110] : memref<2048x128xf32, #tpu.memory_space<vmem>>, vector<2048x128xf32>
    tpu.vector_store %arg6[%swap3A, %swap3A_110], %add3A_109 {strides = array<i32>} : memref<2048x128xf32, #tpu.memory_space<vmem>>, vector<2048x128xf32>,
    %broadcast_in_dim3A_112 = arith.constant 1.000000e+00 : f32
    %broadcast_in_dim3A_113 = vector.broadcast %broadcast_in_dim3A_112 : f32 to vector<1x2048xf32>
    %get3A_114 = arith.constant 0 : index
    %get3A_115 = arith.constant 0 : index
    %get3A_116 = vector.load %arg7[%get3A_114, %get3A_115] : memref<8x128xf32, #tpu.memory_space<vmem>>, vector<1x128xf32>
    %dot_general3A_117 = arith.constant dense<0.000000e+00> : vector<1x128xf32>
    %dot_general3A_118 = tpu.matmul %broadcast_in_dim3A_113, %add3A_109, %dot_general3A_117 {dimension_numbers = #tpu.dot_dimension_numbers<[1], [0], [0], [1], [0, 0, 1, 1], [], []>, transpose_lhs_hint = false} : vector<1x2048xf32>, vector<2048x128xf32>, vector<1x128xf32> -> vector<1x128xf32>
    %add3A_119 = arith.addf %get3A_116, %dot_general3A_118 : vector<1x128xf32>
    %swap3A_120 = arith.constant 0 : index
    %swap3A_121 = arith.constant 0 : index
    %swap3A_122 = vector.load %arg7[%swap3A_120, %swap3A_121] : memref<8x128xf32, #tpu.memory_space<vmem>>, vector<1x128xf32>
    tpu.vector_store %arg7[%swap3A_120, %swap3A_121], %add3A_119 {strides = array<i32>} : memref<8x128xf32, #tpu.memory_space<vmem>>, vector<1x128xf32>,
    %get3A_123 = arith.constant 1 : index
    %get3A_124 = arith.constant 0 : index
    %get3A_125 = vector.load %arg7[%get3A_123, %get3A_124] : memref<8x128xf32, #tpu.memory_space<vmem>>, vector<1x128xf32>
    %mul3A_126 = arith.mulf %add3A_109, %add3A_109 : vector<2048x128xf32>
    %dot_general3A_127 = arith.constant dense<0.000000e+00> : vector<1x128xf32>
    %dot_general3A_128 = tpu.matmul %broadcast_in_dim3A_113, %mul3A_126, %dot_general3A_127 {dimension_numbers = #tpu.dot_dimension_numbers<[1], [0], [0], [1], [0, 0, 1, 1], [], []>, transpose_lhs_hint = false} : vector<1x2048xf32>, vector<2048x128xf32>, vector<1x128xf32> -> vector<1x128xf32>
    %add3A_129 = arith.addf %get3A_125, %dot_general3A_128 : vector<1x128xf32>
    %swap3A_130 = arith.constant 1 : index
    %swap3A_131 = arith.constant 0 : index
    %swap3A_132 = vector.load %arg7[%swap3A_130, %swap3A_131] : memref<8x128xf32, #tpu.memory_space<vmem>>, vector<1x128xf32>
    tpu.vector_store %arg7[%swap3A_130, %swap3A_131], %add3A_129 {strides = array<i32>} : memref<8x128xf32, #tpu.memory_space<vmem>>, vector<1x128xf32>,
    return
  }
  func.func @transform_0(%arg0: i32) -> (i32, i32) {
    %c0_i32 = arith.constant 0 : i32
    %c0_i32_0 = arith.constant 0 : i32
    return %arg0, %c0_i32 : i32, i32
  }
  func.func @transform_1(%arg0: i32) -> (i32, i32) {
    %c0_i32 = arith.constant 0 : i32
    %c0_i32_0 = arith.constant 0 : i32
    return %arg0, %c0_i32 : i32, i32
  }
  func.func @transform_2(%arg0: i32) -> (i32, i32) {
    %c0_i32 = arith.constant 0 : i32
    %c0_i32_0 = arith.constant 0 : i32
    %c0_i32_1 = arith.constant 0 : i32
    return %c0_i32, %c0_i32_0 : i32, i32
  }
  func.func @transform_3(%arg0: i32) -> (i32, i32) {
    %c0_i32 = arith.constant 0 : i32
    %c0_i32_0 = arith.constant 0 : i32
    %c0_i32_1 = arith.constant 0 : i32
    return %c0_i32, %c0_i32_0 : i32, i32
  }
  func.func @transform_4(%arg0: i32) -> (i32, i32) {
    %c0_i32 = arith.constant 0 : i32
    %c0_i32_0 = arith.constant 0 : i32
    %c0_i32_1 = arith.constant 0 : i32
    return %c0_i32, %c0_i32_0 : i32, i32
  }
  func.func @transform_5(%arg0: i32) -> (i32, i32) {
    %c0_i32 = arith.constant 0 : i32
    %c0_i32_0 = arith.constant 0 : i32
    return %arg0, %c0_i32 : i32, i32
  }
  func.func @transform_6(%arg0: i32) -> (i32, i32) {
    %c0_i32 = arith.constant 0 : i32
    %c0_i32_0 = arith.constant 0 : i32
    %c0_i32_1 = arith.constant 0 : i32
    return %c0_i32, %c0_i32_0 : i32, i32
  }
}

module attributes {stable_mosaic.version = 14 : i64} {
  func.func @_final_kernel(%arg0: i32, %arg1: memref<2048x128xf32, #tpu.memory_space<vmem>>, %arg2: memref<8x128xf32, #tpu.memory_space<vmem>>, %arg3: memref<8x128xf32, #tpu.memory_space<vmem>>, %arg4: memref<128x128xf32, #tpu.memory_space<vmem>>, %arg5: memref<128x128xf32, #tpu.memory_space<vmem>>) attributes {dimension_semantics = [#tpu.dimension_semantics<arbitrary>], iteration_bounds = array<i64: 32>, scalar_prefetch = 0 : i64, scratch_operands = 0 : i64, tpu.core_type = #tpu.core_type<tc>, window_params = [{transform_indices = @transform_0, window_bounds = array<i64: 2048, 128>}, {pipeline_mode = #tpu.pipeline_mode<synchronous>, transform_indices = @transform_1, window_bounds = array<i64: 8, 128>}, {pipeline_mode = #tpu.pipeline_mode<synchronous>, transform_indices = @transform_2, window_bounds = array<i64: 8, 128>}, {transform_indices = @transform_3, window_bounds = array<i64: 128, 128>}, {transform_indices = @transform_4, window_bounds = array<i64: 128, 128>}]} {
    %get3A = arith.constant 4 : index
    %get3A_0 = arith.constant 0 : index
    %get3A_1 = vector.load %arg3[%get3A, %get3A_0] : memref<8x128xf32, #tpu.memory_space<vmem>>, vector<1x128xf32>
    %get3A_2 = arith.constant 5 : index
    %get3A_3 = arith.constant 0 : index
    %get3A_4 = vector.load %arg3[%get3A_2, %get3A_3] : memref<8x128xf32, #tpu.memory_space<vmem>>, vector<1x128xf32>
    %get3A_5 = arith.constant 0 : index
    %get3A_6 = arith.constant 0 : index
    %get3A_7 = vector.load %arg2[%get3A_5, %get3A_6] : memref<8x128xf32, #tpu.memory_space<vmem>>, vector<1x128xf32>
    %slice3A = vector.extract_strided_slice %get3A_7 {offsets = [0, 0], sizes = [1, 32], strides = [1, 1]} : vector<1x128xf32> to vector<1x32xf32>
    %slice3A_8 = vector.extract_strided_slice %get3A_7 {offsets = [0, 32], sizes = [1, 32], strides = [1, 1]} : vector<1x128xf32> to vector<1x32xf32>
    %add3A = arith.addf %slice3A, %slice3A_8 : vector<1x32xf32>
    %slice3A_9 = vector.extract_strided_slice %get3A_7 {offsets = [0, 64], sizes = [1, 32], strides = [1, 1]} : vector<1x128xf32> to vector<1x32xf32>
    %add3A_10 = arith.addf %add3A, %slice3A_9 : vector<1x32xf32>
    %slice3A_11 = vector.extract_strided_slice %get3A_7 {offsets = [0, 96], sizes = [1, 32], strides = [1, 1]} : vector<1x128xf32> to vector<1x32xf32>
    %add3A_12 = arith.addf %add3A_10, %slice3A_11 : vector<1x32xf32>
    %concatenate3A = tpu.concatenate %add3A_12, %add3A_12, %add3A_12, %add3A_12 in 1 : vector<1x32xf32>, vector<1x32xf32>, vector<1x32xf32>, vector<1x32xf32> -> vector<1x128xf32>
    %get3A_13 = arith.constant 1 : index
    %get3A_14 = arith.constant 0 : index
    %get3A_15 = vector.load %arg2[%get3A_13, %get3A_14] : memref<8x128xf32, #tpu.memory_space<vmem>>, vector<1x128xf32>
    %slice3A_16 = vector.extract_strided_slice %get3A_15 {offsets = [0, 0], sizes = [1, 32], strides = [1, 1]} : vector<1x128xf32> to vector<1x32xf32>
    %slice3A_17 = vector.extract_strided_slice %get3A_15 {offsets = [0, 32], sizes = [1, 32], strides = [1, 1]} : vector<1x128xf32> to vector<1x32xf32>
    %add3A_18 = arith.addf %slice3A_16, %slice3A_17 : vector<1x32xf32>
    %slice3A_19 = vector.extract_strided_slice %get3A_15 {offsets = [0, 64], sizes = [1, 32], strides = [1, 1]} : vector<1x128xf32> to vector<1x32xf32>
    %add3A_20 = arith.addf %add3A_18, %slice3A_19 : vector<1x32xf32>
    %slice3A_21 = vector.extract_strided_slice %get3A_15 {offsets = [0, 96], sizes = [1, 32], strides = [1, 1]} : vector<1x128xf32> to vector<1x32xf32>
    %add3A_22 = arith.addf %add3A_20, %slice3A_21 : vector<1x32xf32>
    %concatenate3A_23 = tpu.concatenate %add3A_22, %add3A_22, %add3A_22, %add3A_22 in 1 : vector<1x32xf32>, vector<1x32xf32>, vector<1x32xf32>, vector<1x32xf32> -> vector<1x128xf32>
    %mul3A = arith.constant 3.81469727E-6 : f32
    %mul3A_24 = vector.broadcast %mul3A : f32 to vector<1x128xf32>
    %mul3A_25 = arith.mulf %concatenate3A, %mul3A_24 : vector<1x128xf32>
    %mul3A_26 = arith.constant 3.81469727E-6 : f32
    %mul3A_27 = vector.broadcast %mul3A_26 : f32 to vector<1x128xf32>
    %mul3A_28 = arith.mulf %concatenate3A_23, %mul3A_27 : vector<1x128xf32>
    %mul3A_29 = arith.mulf %mul3A_25, %mul3A_25 : vector<1x128xf32>
    %sub3A = arith.subf %mul3A_28, %mul3A_29 : vector<1x128xf32>
    %add3A_30 = arith.constant 9.99999974E-6 : f32
    %add3A_31 = vector.broadcast %add3A_30 : f32 to vector<1x128xf32>
    %add3A_32 = arith.addf %sub3A, %add3A_31 : vector<1x128xf32>
    %rsqrt3A = math.rsqrt %add3A_32 : vector<1x128xf32>
    %mul3A_33 = arith.mulf %get3A_1, %rsqrt3A : vector<1x128xf32>
    %mul3A_34 = arith.mulf %mul3A_25, %mul3A_33 : vector<1x128xf32>
    %sub3A_35 = arith.subf %get3A_4, %mul3A_34 : vector<1x128xf32>
    %get3A_36 = arith.constant 0 : index
    %get3A_37 = arith.constant 0 : index
    %get3A_38 = vector.load %arg1[%get3A_36, %get3A_37] : memref<2048x128xf32, #tpu.memory_space<vmem>>, vector<2048x128xf32>
    %reshape3A = vector.shape_cast %get3A_38 : vector<2048x128xf32> to vector<128x16x128xf32>
    %reduce_max3A = arith.constant dense<0xFF800000> : vector<128x128xf32>
    %reduce_max3A_39 = vector.multi_reduction <maximumf>, %reshape3A, %reduce_max3A [1] : vector<128x16x128xf32> to vector<128x128xf32>
    %reduce_min3A = arith.constant dense<0x7F800000> : vector<128x128xf32>
    %reduce_min3A_40 = vector.multi_reduction <minimumf>, %reshape3A, %reduce_min3A [1] : vector<128x16x128xf32> to vector<128x128xf32>
    %mul3A_41 = vector.broadcast %mul3A_33 : vector<1x128xf32> to vector<128x128xf32>
    %mul3A_42 = arith.mulf %mul3A_41, %reduce_max3A_39 : vector<128x128xf32>
    %add3A_43 = vector.broadcast %sub3A_35 : vector<1x128xf32> to vector<128x128xf32>
    %add3A_44 = arith.addf %mul3A_42, %add3A_43 : vector<128x128xf32>
    %mul3A_45 = vector.broadcast %mul3A_33 : vector<1x128xf32> to vector<128x128xf32>
    %mul3A_46 = arith.mulf %mul3A_45, %reduce_min3A_40 : vector<128x128xf32>
    %add3A_47 = vector.broadcast %sub3A_35 : vector<1x128xf32> to vector<128x128xf32>
    %add3A_48 = arith.addf %mul3A_46, %add3A_47 : vector<128x128xf32>
    %max3A = arith.maximumf %add3A_44, %add3A_48 : vector<128x128xf32>
    %min3A = arith.minimumf %add3A_44, %add3A_48 : vector<128x128xf32>
    %jit3A = arith.constant -4.000000e+00 : f32
    %jit3A_49 = arith.constant 4.000000e+00 : f32
    %max3A_50 = vector.broadcast %jit3A : f32 to vector<128x128xf32>
    %max3A_51 = arith.maximumf %max3A_50, %max3A : vector<128x128xf32>
    %min3A_52 = vector.broadcast %jit3A_49 : f32 to vector<128x128xf32>
    %min3A_53 = arith.minimumf %min3A_52, %max3A_51 : vector<128x128xf32>
    %mul3A_54 = arith.mulf %min3A_53, %min3A_53 : vector<128x128xf32>
    %mul3A_55 = arith.constant -3.16276627E-9 : f32
    %mul3A_56 = vector.broadcast %mul3A_55 : f32 to vector<128x128xf32>
    %mul3A_57 = arith.mulf %mul3A_56, %mul3A_54 : vector<128x128xf32>
    %add3A_58 = arith.constant 2.43488813E-7 : f32
    %add3A_59 = vector.broadcast %add3A_58 : f32 to vector<128x128xf32>
    %add3A_60 = arith.addf %mul3A_57, %add3A_59 : vector<128x128xf32>
    %mul3A_61 = arith.mulf %add3A_60, %mul3A_54 : vector<128x128xf32>
    %add3A_62 = arith.constant -8.20320747E-6 : f32
    %add3A_63 = vector.broadcast %add3A_62 : f32 to vector<128x128xf32>
    %add3A_64 = arith.addf %mul3A_61, %add3A_63 : vector<128x128xf32>
    %mul3A_65 = arith.mulf %add3A_64, %mul3A_54 : vector<128x128xf32>
    %add3A_66 = arith.constant 1.61351258E-4 : f32
    %add3A_67 = vector.broadcast %add3A_66 : f32 to vector<128x128xf32>
    %add3A_68 = arith.addf %mul3A_65, %add3A_67 : vector<128x128xf32>
    %mul3A_69 = arith.mulf %add3A_68, %mul3A_54 : vector<128x128xf32>
    %add3A_70 = arith.constant -0.00209650607 : f32
    %add3A_71 = vector.broadcast %add3A_70 : f32 to vector<128x128xf32>
    %add3A_72 = arith.addf %mul3A_69, %add3A_71 : vector<128x128xf32>
    %mul3A_73 = arith.mulf %add3A_72, %mul3A_54 : vector<128x128xf32>
    %add3A_74 = arith.constant 0.0193300396 : f32
    %add3A_75 = vector.broadcast %add3A_74 : f32 to vector<128x128xf32>
    %add3A_76 = arith.addf %mul3A_73, %add3A_75 : vector<128x128xf32>
    %mul3A_77 = arith.mulf %add3A_76, %mul3A_54 : vector<128x128xf32>
    %add3A_78 = arith.constant -0.13235113 : f32
    %add3A_79 = vector.broadcast %add3A_78 : f32 to vector<128x128xf32>
    %add3A_80 = arith.addf %mul3A_77, %add3A_79 : vector<128x128xf32>
    %mul3A_81 = arith.mulf %add3A_80, %mul3A_54 : vector<128x128xf32>
    %add3A_82 = arith.constant 0.797695159 : f32
    %add3A_83 = vector.broadcast %add3A_82 : f32 to vector<128x128xf32>
    %add3A_84 = arith.addf %mul3A_81, %add3A_83 : vector<128x128xf32>
    %mul3A_85 = arith.mulf %add3A_84, %min3A_53 : vector<128x128xf32>
    %jit3A_86 = arith.constant -1.000000e+00 : f32
    %jit3A_87 = arith.constant 1.000000e+00 : f32
    %max3A_88 = vector.broadcast %jit3A_86 : f32 to vector<128x128xf32>
    %max3A_89 = arith.maximumf %max3A_88, %mul3A_85 : vector<128x128xf32>
    %min3A_90 = vector.broadcast %jit3A_87 : f32 to vector<128x128xf32>
    %min3A_91 = arith.minimumf %min3A_90, %max3A_89 : vector<128x128xf32>
    %mul3A_92 = arith.constant 5.000000e-01 : f32
    %mul3A_93 = vector.broadcast %mul3A_92 : f32 to vector<128x128xf32>
    %mul3A_94 = arith.mulf %mul3A_93, %max3A : vector<128x128xf32>
    %add3A_95 = arith.constant 1.000000e+00 : f32
    %add3A_96 = vector.broadcast %add3A_95 : f32 to vector<128x128xf32>
    %add3A_97 = arith.addf %add3A_96, %min3A_91 : vector<128x128xf32>
    %mul3A_98 = arith.mulf %mul3A_94, %add3A_97 : vector<128x128xf32>
    %jit3A_99 = arith.constant -4.000000e+00 : f32
    %jit3A_100 = arith.constant 4.000000e+00 : f32
    %max3A_101 = vector.broadcast %jit3A_99 : f32 to vector<128x128xf32>
    %max3A_102 = arith.maximumf %max3A_101, %min3A : vector<128x128xf32>
    %min3A_103 = vector.broadcast %jit3A_100 : f32 to vector<128x128xf32>
    %min3A_104 = arith.minimumf %min3A_103, %max3A_102 : vector<128x128xf32>
    %mul3A_105 = arith.mulf %min3A_104, %min3A_104 : vector<128x128xf32>
    %mul3A_106 = arith.constant -3.16276627E-9 : f32
    %mul3A_107 = vector.broadcast %mul3A_106 : f32 to vector<128x128xf32>
    %mul3A_108 = arith.mulf %mul3A_107, %mul3A_105 : vector<128x128xf32>
    %add3A_109 = arith.constant 2.43488813E-7 : f32
    %add3A_110 = vector.broadcast %add3A_109 : f32 to vector<128x128xf32>
    %add3A_111 = arith.addf %mul3A_108, %add3A_110 : vector<128x128xf32>
    %mul3A_112 = arith.mulf %add3A_111, %mul3A_105 : vector<128x128xf32>
    %add3A_113 = arith.constant -8.20320747E-6 : f32
    %add3A_114 = vector.broadcast %add3A_113 : f32 to vector<128x128xf32>
    %add3A_115 = arith.addf %mul3A_112, %add3A_114 : vector<128x128xf32>
    %mul3A_116 = arith.mulf %add3A_115, %mul3A_105 : vector<128x128xf32>
    %add3A_117 = arith.constant 1.61351258E-4 : f32
    %add3A_118 = vector.broadcast %add3A_117 : f32 to vector<128x128xf32>
    %add3A_119 = arith.addf %mul3A_116, %add3A_118 : vector<128x128xf32>
    %mul3A_120 = arith.mulf %add3A_119, %mul3A_105 : vector<128x128xf32>
    %add3A_121 = arith.constant -0.00209650607 : f32
    %add3A_122 = vector.broadcast %add3A_121 : f32 to vector<128x128xf32>
    %add3A_123 = arith.addf %mul3A_120, %add3A_122 : vector<128x128xf32>
    %mul3A_124 = arith.mulf %add3A_123, %mul3A_105 : vector<128x128xf32>
    %add3A_125 = arith.constant 0.0193300396 : f32
    %add3A_126 = vector.broadcast %add3A_125 : f32 to vector<128x128xf32>
    %add3A_127 = arith.addf %mul3A_124, %add3A_126 : vector<128x128xf32>
    %mul3A_128 = arith.mulf %add3A_127, %mul3A_105 : vector<128x128xf32>
    %add3A_129 = arith.constant -0.13235113 : f32
    %add3A_130 = vector.broadcast %add3A_129 : f32 to vector<128x128xf32>
    %add3A_131 = arith.addf %mul3A_128, %add3A_130 : vector<128x128xf32>
    %mul3A_132 = arith.mulf %add3A_131, %mul3A_105 : vector<128x128xf32>
    %add3A_133 = arith.constant 0.797695159 : f32
    %add3A_134 = vector.broadcast %add3A_133 : f32 to vector<128x128xf32>
    %add3A_135 = arith.addf %mul3A_132, %add3A_134 : vector<128x128xf32>
    %mul3A_136 = arith.mulf %add3A_135, %min3A_104 : vector<128x128xf32>
    %jit3A_137 = arith.constant -1.000000e+00 : f32
    %jit3A_138 = arith.constant 1.000000e+00 : f32
    %max3A_139 = vector.broadcast %jit3A_137 : f32 to vector<128x128xf32>
    %max3A_140 = arith.maximumf %max3A_139, %mul3A_136 : vector<128x128xf32>
    %min3A_141 = vector.broadcast %jit3A_138 : f32 to vector<128x128xf32>
    %min3A_142 = arith.minimumf %min3A_141, %max3A_140 : vector<128x128xf32>
    %mul3A_143 = arith.constant 5.000000e-01 : f32
    %mul3A_144 = vector.broadcast %mul3A_143 : f32 to vector<128x128xf32>
    %mul3A_145 = arith.mulf %mul3A_144, %min3A : vector<128x128xf32>
    %add3A_146 = arith.constant 1.000000e+00 : f32
    %add3A_147 = vector.broadcast %add3A_146 : f32 to vector<128x128xf32>
    %add3A_148 = arith.addf %add3A_147, %min3A_142 : vector<128x128xf32>
    %mul3A_149 = arith.mulf %mul3A_145, %add3A_148 : vector<128x128xf32>
    %max3A_150 = arith.maximumf %mul3A_98, %mul3A_149 : vector<128x128xf32>
    %get3A_151 = arith.constant 0 : index
    %get3A_152 = arith.constant 0 : index
    %get3A_153 = vector.load %arg4[%get3A_151, %get3A_152] : memref<128x128xf32, #tpu.memory_space<vmem>>, vector<128x128xf32>
    %add3A_154 = arith.addf %max3A_150, %get3A_153 : vector<128x128xf32>
    %swap3A = arith.constant 0 : index
    %swap3A_155 = arith.constant 0 : index
    %swap3A_156 = vector.load %arg5[%swap3A, %swap3A_155] : memref<128x128xf32, #tpu.memory_space<vmem>>, vector<128x128xf32>
    tpu.vector_store %arg5[%swap3A, %swap3A_155], %add3A_154 {strides = array<i32>} : memref<128x128xf32, #tpu.memory_space<vmem>>, vector<128x128xf32>,
    return
  }
  func.func @transform_0(%arg0: i32) -> (i32, i32) {
    %c0_i32 = arith.constant 0 : i32
    %c0_i32_0 = arith.constant 0 : i32
    return %arg0, %c0_i32 : i32, i32
  }
  func.func @transform_1(%arg0: i32) -> (i32, i32) {
    %c0_i32 = arith.constant 0 : i32
    %c0_i32_0 = arith.constant 0 : i32
    %c0_i32_1 = arith.constant 0 : i32
    return %c0_i32, %c0_i32_0 : i32, i32
  }
  func.func @transform_2(%arg0: i32) -> (i32, i32) {
    %c0_i32 = arith.constant 0 : i32
    %c0_i32_0 = arith.constant 0 : i32
    %c0_i32_1 = arith.constant 0 : i32
    return %c0_i32, %c0_i32_0 : i32, i32
  }
  func.func @transform_3(%arg0: i32) -> (i32, i32) {
    %c0_i32 = arith.constant 0 : i32
    %c0_i32_0 = arith.constant 0 : i32
    return %arg0, %c0_i32 : i32, i32
  }
  func.func @transform_4(%arg0: i32) -> (i32, i32) {
    %c0_i32 = arith.constant 0 : i32
    %c0_i32_0 = arith.constant 0 : i32
    return %arg0, %c0_i32 : i32, i32
  }
}

</mosaic_0001>

<sc_bundles>
// kernel: kernel.8.cloned.1.call-start
scs
__scs_entry_jumppad:
0x0: {  	(pc) =	sbr.rel $0x88, $3  }
0x1: {  	(tag) =	ssettag $0x0;
	lr =	simm.s32 $0x1  }
0x2: {  	[smem:$0x3F94] =	sst lr;
	_ =	strace $0xD0000000  }
0x3: {  	_ = 	snop  }
0x4: {  	_ = 	snop  }
0x5: {  	_ = 	snop  }
0x6: {  	_ = 	snop  }
0x7: {  	_ = 	snop  }
__scs_overlays_trampoline_lowered:
0x8: {  	[smem:$0x3FA3] =	sst s0  }
0x9: {  	[smem:$0x3FA4] =	sst s1  }
0xa: {  	[smem:$0x3FA5] =	sst s2  }
0xb: {  	[smem:$0x3FA6] =	sst s3  }
0xc: {  	[smem:$0x3FA7] =	sst s4  }
0xd: {  	[smem:$0x3FA8] =	sst s5  }
0xe: {  	[smem:$0x3FA9] =	sst s6  }
0xf: {  	[smem:$0x3FAA] =	sst s7  }
0x10: {  	[smem:$0x3FAB] =	sst s8  }
0x11: {  	[smem:$0x3FAC] =	sst s9;
	s0 =	simm.s32 @!p0 $0x0  }
0x12: {  	s1 =	sld [smem:$0x3F92];
	s0 =	simm.s32 @p0 $0x1  }
0x13: {  	[smem:$0x3FAD] =	sst s0;
	s0 =	simm.s32 @!p1 $0x0  }
0x14: {  	s2 =	sld [smem:$0x3F91];
	s0 =	simm.s32 @p1 $0x1  }
0x15: {  	[smem:$0x3FAE] =	sst s0;
	s0 =	simm.s32 @!p2 $0x0  }
0x16: {  	s3 =	sld [smem:$0x3FDB];
	s0 =	simm.s32 @p2 $0x1  }
0x17: {  	s4 =	simm.s32 $0x1BF5;
	[smem:$0x3FB0] =	sst s0  }
0x18: {  	s0 =	sld [smem:$0x3F93];
	_ =	swait.ge [sflag:s4], $0x0  }
0x19: {  	s7 =	sld [smem:$0x3F94]  }
0x1a: {  	s8 =	sadd.s32 $0xFFFFE003, lr  }
0x1b: {  	s9 =	sadd.s32 $0xFFFFFEF7, lr;
	s5 =	simm.s32 $0xFFFFFFFF;
	p2 =	slt.u32 s8, $0xFFFFF086  }
0x1c: {  	p1 =	slt.u32 s9, $0xF7A;
	s5 =	simm.s32 @!p2 $0x0  }
0x1d: {  	s5 =	simm.s32 @p1 $0x1;
	p0 =	seq.s32 s7, s2  }
0x1e: {  	s7 =	smul.u32 @!p0 $0xF7A, s2;
	p2 =	seq.s32 @!p0 s5, $0x0  }
0x1f: {  	s9 =	smul.u32 $0xF7A, s1;
	s8 =	simm.s32 @!p0 $0x1BF5;
	p2 =	por !p2, p0  }
0x20: {  	[sflag:s8] =	ssyncset.s32 @!p0 $0xFFFFF086;
	s6 =	sadd.s32 @!p0 s3, s7;
	s7 =	simm.s32 @!p0 $0x108  }
0x21: {  	s3 =	sadd.s32 s3, s9;
	s6 =	sadd.s32 @!p0 $0x88, s6;
	s7 =	simm.s32 @p2 $0x1082  }
0x22: {  	[simem:s7], [sflag:s8] =	dma.local @!p0 [hbm:s6], $0xF7A  }
0x23: {  	s9 =	sor.u32 $0xD0000000, s2;
	s6 =	simm.s32 $0x108;
	_ =	swait.ge @!p0 [sflag:s8], $0x0  }
0x24: {  	s3 =	sadd.s32 $0x88, s3;
	s6 =	simm.s32 @!p1 $0x1082;
	[sflag:s4] =	ssyncset.s32 $0xFFFFF086  }
0x25: {  	[simem:s6], [sflag:s4] =	dma.local [hbm:s3], $0xF7A  }
0x26: {  	[smem:$0x3F94] =	sst s1;
	(tag) =	ssettag s2;
	_ =	strace s9  }
0x27: {  	s1 =	sld [smem:$0x3FA4]  }
0x28: {  	s2 =	sld [smem:$0x3FA5]  }
0x29: {  	s4 =	sld [smem:$0x3FA7]  }
0x2a: {  	p0 =	seq.s32 s5, $0x0;
	s5 =	sld [smem:$0x3FA8]  }
0x2b: {  	s6 =	sld [smem:$0x3FA9]  }
0x2c: {  	s7 =	sld [smem:$0x3FAA]  }
0x2d: {  	s3 =	simm.s32 $0x108;
	s8 =	sld [smem:$0x3FAB]  }
0x2e: {  	s3 =	simm.s32 @!p0 $0x1082;
	s9 =	sld [smem:$0x3FAC]  }
0x2f: {  	lr =	sadd.s32 s0, s3;
	s0 =	sld [smem:$0x3FA3]  }
0x30: {  	s3 =	sld [smem:$0x3FA6]  }
0x31: {  	[smem:$0x3FAF] =	sst s10  }
0x32: {  	s10 =	sld [smem:$0x3FAD];
	_ =	sdelay $0x3  }
0x33: {  	p0 =	seq.s32 s10, $0x1;
	s10 =	sld [smem:$0x3FAF];
	_ =	sdelay $0x3  }
0x34: {  	[smem:$0x3FAF] =	sst s10  }
0x35: {  	s10 =	sld [smem:$0x3FAE];
	_ =	sdelay $0x3  }
0x36: {  	p1 =	seq.s32 s10, $0x1;
	s10 =	sld [smem:$0x3FAF];
	_ =	sdelay $0x3  }
0x37: {  	[smem:$0x3FAF] =	sst s10  }
0x38: {  	s10 =	sld [smem:$0x3FB0]  }
0x39: {  	_ = 	snop;
	(pc) =	sbr.ind lr, $3  }
0x3a: {  	_ = 	snop  }
0x3b: {  	_ = 	snop  }
0x3c: {  	p2 =	seq.s32 s10, $0x1;
	s10 =	sld [smem:$0x3FAF]  }
0x3d: {  	_ =	shalt  }
0x3e: {  	_ =	shalt  }
0x3f: {  	_ =	shalt  }
0x40: {  	_ =	shalt  }
0x41: {  	_ =	shalt  }
0x42: {  	_ =	shalt  }
0x43: {  	_ =	shalt  }
0x44: {  	_ =	shalt  }
0x45: {  	_ =	shalt  }
0x46: {  	_ =	shalt  }
0x47: {  	_ =	shalt  }
0x48: {  	_ =	shalt  }
0x49: {  	_ =	shalt  }
0x4a: {  	_ =	shalt  }
0x4b: {  	_ =	shalt  }
0x4c: {  	_ =	shalt  }
0x4d: {  	_ =	shalt  }
0x4e: {  	_ =	shalt  }
0x4f: {  	_ =	shalt  }
0x50: {  	_ =	shalt  }
0x51: {  	_ =	shalt  }
0x52: {  	_ =	shalt  }
0x53: {  	_ =	shalt  }
0x54: {  	_ =	shalt  }
0x55: {  	_ =	shalt  }
0x56: {  	_ =	shalt  }
0x57: {  	_ =	shalt  }
0x58: {  	_ =	shalt  }
0x59: {  	_ =	shalt  }
0x5a: {  	_ =	shalt  }
0x5b: {  	_ =	shalt  }
0x5c: {  	_ =	shalt  }
0x5d: {  	_ =	shalt  }
0x5e: {  	_ =	shalt  }
0x5f: {  	_ =	shalt  }
0x60: {  	_ =	shalt  }
0x61: {  	_ =	shalt  }
0x62: {  	_ =	shalt  }
0x63: {  	_ =	shalt  }
0x64: {  	_ =	shalt  }
0x65: {  	_ =	shalt  }
0x66: {  	_ =	shalt  }
0x67: {  	_ =	shalt  }
0x68: {  	_ =	shalt  }
0x69: {  	_ =	shalt  }
0x6a: {  	_ =	shalt  }
0x6b: {  	_ =	shalt  }
0x6c: {  	_ =	shalt  }
0x6d: {  	_ =	shalt  }
0x6e: {  	_ =	shalt  }
0x6f: {  	_ =	shalt  }
0x70: {  	_ =	shalt  }
0x71: {  	_ =	shalt  }
0x72: {  	_ =	shalt  }
0x73: {  	_ =	shalt  }
0x74: {  	_ =	shalt  }
0x75: {  	_ =	shalt  }
0x76: {  	_ =	shalt  }
0x77: {  	_ =	shalt  }
0x78: {  	_ =	shalt  }
0x79: {  	_ =	shalt  }
0x7a: {  	_ =	shalt  }
0x7b: {  	_ =	shalt  }
0x7c: {  	_ =	shalt  }
0x7d: {  	_ =	shalt  }
0x7e: {  	_ =	shalt  }
0x7f: {  	_ =	shalt  }
0x80: {  	_ =	shalt  }
0x81: {  	_ =	shalt  }
0x82: {  	_ =	shalt  }
0x83: {  	_ =	shalt  }
0x84: {  	_ =	shalt  }
0x85: {  	_ =	shalt  }
0x86: {  	_ =	shalt  }
0x87: {  	_ =	shalt  }
.Lfunc_end0:
.L_simem_size_0:
called_computation_lowered:
.L_overlay_start_0:
0x88: {  	s2 =	sld [smem:$0x3FD9]  }
0x89: {  	s3 =	sld [smem:$0x3FFE];
	_ =	sdelay $0x1  }
0x8a: {  	s1 =	srdreg.scid  }
0x8b: {  	s0 =	sand.u32 $0x1, s1  }
0x8c: {  	s17 =	sshll.u32 s0, $0xA;
	s2 =	sadd.s32 s3, s2  }
0x8d: {  	s2 =	sadd.s32 s2, s17  }
0x8e: {  	[smem:$0x3FBB] =	sst s2  }
0x8f: {  	_ = 	snop  }
0x90: {  	s2 =	sld [smem:$0x3FD0];
	(tm) =	ssettm $0x1  }
0x91: {  	s18 =	sld [smem:$0x3FFB];
	_ =	sdelay $0x3  }
0x92: {  	_ =	strace s18  }
0x93: {  	s3 =	sld [smem:$0x3FFC];
	_ =	sdelay $0x3  }
0x94: {  	_ =	strace s3  }
0x95: {  	s3 =	sld [smem:$0x3FFD];
	_ =	sdelay $0x3  }
0x96: {  	_ =	strace s3  }
0x97: {  	_ =	strace $0x8FFFFFFF  }
0x98: {  	s19 =	sld [smem:$0x3FDB];
	_ =	sdelay $0x1  }
0x99: {  	s4 =	simm.s32 $_scs_section_size  }
0x9a: {  	s5 =	simm.s32 $_size__tile_overlayer_lowered;
	s6 =	simm.s32 $_tile_overlayer_lowered  }
0x9b: {  	s22 =	simm.s32 $0x1BFF;
	s21 =	sshll.u32 s6, $0x1;
	s3 =	sadd.s32 s4, s19  }
0x9c: {  	s7 =	simm.s32 $0x0;
	s20 =	sshll.u32 s5, $0x1;
	s5 =	sadd.s32 s21, s3  }
0x9d: {  	[timem:s7], [sflag:s22] =	dma.local [hbm:s5], s20  }
0x9e: {  	_ =	swait.ge [sflag:s22], s20  }
0x9f: {  	s4 =	ssub.s32 $0x0, s20;
	[sflag:s22] =	ssyncset.done $0x0  }
0xa0: {  	[sflag:s22] =	ssyncadd.s32 s4;
	_ =	sdelay $0x1  }
0xa1: {  	s23 =	simm.s32 $0x1B8B  }
0xa2: {  	_ =	swait.ge [sflag:s23], $0x1  }
0xa3: {  	[sflag:s23] =	ssyncset.done $0x0  }
0xa4: {  	s25 =	simm.s32 $0x1B8E;
	s24 =	sld [smem:$0x3FFE];
	[sflag:s23] =	ssyncadd.s32 $0xFFFFFFFF  }
0xa5: {  	s26 =	simm.s32 $execute0_lowered;
	[smem:$0x3FD2] =	sst s25  }
0xa6: {  	s5 =	sshll.u32 s26, $0x1;
	_ =	strace $0x80000046;
	[dreg:$0x1] =	wrdreg $0xFFFFFFFF  }
0xa7: {  	s28 =	simm.s32 $_size_execute0_lowered;
	s3 =	sadd.s32 s3, s5;
	[dreg:$0x0] =	wrdreg $0x0  }
0xa8: {  	s5 =	sshll.u32 s28, $0x1;
	[dreg:$0x2] =	wrdreg s3  }
0xa9: {  	[dreg:$0x3] =	wrdreg s5  }
0xaa: {  	[dreg:$0x4] =	wrdreg $0xC0  }
0xab: {  	_ =	task [dreg:s7], $0x5FFFF  }
0xac: {  	[dreg:$0x1] =	wrdreg $0xFFFFFFFF  }
0xad: {  	[dreg:$0x0] =	wrdreg $0x60  }
0xae: {  	[dreg:$0x2] =	wrdreg s24  }
0xaf: {  	[dreg:$0x3] =	wrdreg s2  }
0xb0: {  	[dreg:$0x4] =	wrdreg $0x9  }
0xb1: {  	_ =	task.clear_ibuf [dreg:s7], $0x5FFFF;
	_ =	strace $0x90000046  }
0xb2: {  	s29 =	simm.s32 $0x9;
	_ =	strace $0x80000048  }
0xb3: {  	_ =	swait.ge [sflag:s29], $0x1  }
0xb4: {  	[sflag:s29] =	ssyncadd.s32 $0xFFFFFFFF  }
0xb5: {  	_ =	strace $0x90000048  }
0xb6: {  	_ =	sfence  }
0xb7: {  	s30 =	sld [smem:$0x0];
	_ =	sdelay $0x2  }
0xb8: {  	s31 =	sshll.u32 s1, $0xD;
	s1 =	sshrl.u32 s1, $0x2  }
0xb9: {  	s3 =	sand.u32 $0x4000, s31;
	s1 =	sadd.s32 s1, s30  }
0xba: {  	s0 =	sor.u32 s3, s0;
	s1 =	sshll.u32 s1, $0x11  }
0xbb: {  	s0 =	sor.u32 s1, s0  }
0xbc: {  	s0 =	sadd.s32 $0x8F2B, s0  }
0xbd: {  	[sflag:s0] =	ssyncadd.remote.s32 $0x1  }
0xbe: {  	_ =	sfence.sel $0xFFFF  }
0xbf: {  	[dreg:$0x0] =	wrdreg $0xFFFFFFFF;
	(pc) =	sbr.abs _section_cstart, $3  }
0xc0: {  	[dreg:$0x1] =	wrdreg $0xFFFFFFFF  }
0xc1: {  	_ =	task.clear_ibuf [dreg:s7], $0x2FFFF;
	_ =	strace $0x9FFFFFFF  }
0xc2: {  	(tm) =	ssettm $0x7FFFFFFF  }
0xc3: {  	_ =	shalt  }
tec
execute0_lowered:
.L_overlay_start_1:
0x0: {  	(tag) =	ssettag $0x1  }
0x1: {  	s0 =	srdreg.scid;
	s2 =	rddreg [dreg:$0x0]  }
0x2: {  	s9 =	stileid.u32;
	s6 =	rddreg [dreg:$0x1]  }
0x3: {  	s7 =	simm.s32 $0x0;
	s29 =	simm.s32 $0x5;
	s31 =	simm.s32 $0x6  }
0x4: {  	s10 =	simm.s32 $0xD;
	s11 =	simm.s32 $0xE;
	s12 =	simm.s32 $0xF  }
0x5: {  	s0 =	sand.u32 $0x1, s0;
	s1 =	sshll.u32 s9, $0x1;
	s5 =	sshrl.u32 s9, $0x2  }
0x6: {  	[smem:$0x7FF] =	sst s7;
	s23 =	sshll.u32 s9, $0x15;
	s1 =	sor.u32 s0, s1  }
0x7: {  	s4 =	sshll.u32 s5, $0x10;
	s16 =	sshll.u32 s5, $0x5;
	_ =	strace $0x80000047  }
0x8: {  	s18 =	ssub.s32 $0x2, s0;
	s0 =	sshll.u32 s0, $0x14;
	s5 =	smul.u32 $0x7FFFE0, s5  }
0x9: {  	s3 =	sshll.u32 s1, $0xD;
	s8 =	sshrl.u32 s18, $0x1;
	s1 =	sshll.u32 s1, $0xA  }
0xa: {  	s0 =	sor.u32 s0, s23;
	s3 =	ssub.s32 s3, s4;
	s4 =	sadd.s32 $0x42400, s2  }
0xb: {  	s1 =	sadd.s32 s6, s1;
	s0 =	ssub.s32 s0, s5;
	s17 =	sshll.u32 s3, $0x7  }
0xc: {  	s3 =	sadd.s32 $0x2400, s2;
	s2 =	ssub.s32 s18, s8;
	s7 =	sor.u32 s16, s17  }
0xd: {  	[dreg:$0x3] =	wrdreg s1;
	s0 =	sadd.s32 $0x10000, s0;
	s7 =	sshrl.u32 s7, $0x3  }
0xe: {  	s30 =	smax.u32 s2, $0x1;
	[dreg:$0xd] =	wrdreg s0;
	s7 =	sadd.s32 s7, s4  }
0xf: {  	s13 =	simm.s32 $0x10;
	[dreg:$0xc] =	wrdreg s30;
	s19 =	sadd.s32 $0x1C000, s7  }
0x10: {  	s9 =	simm.s32 $0xC;
	s20 =	sadd.s32 $0x1C800, s7;
	[dreg:$0x4] =	wrdreg s19  }
0x11: {  	s5 =	simm.s32 $0x8;
	s21 =	sadd.s32 $0x1D000, s7;
	[dreg:$0x5] =	wrdreg s20  }
0x12: {  	s6 =	simm.s32 $0x9;
	s22 =	sadd.s32 $0x1D800, s7;
	[dreg:$0x6] =	wrdreg s21  }
0x13: {  	s8 =	simm.s32 $0xB;
	s24 =	sadd.s32 $0x1E000, s7;
	[dreg:$0x7] =	wrdreg s22  }
0x14: {  	s17 =	simm.s32 $0x80;
	s25 =	sadd.s32 $0x1E800, s7;
	[dreg:$0x8] =	wrdreg s24  }
0x15: {  	s2 =	simm.s32 $0x7;
	s26 =	sadd.s32 $0x1F000, s7;
	[dreg:$0x9] =	wrdreg s25  }
0x16: {  	s0 =	simm.s32 $0x0;
	s28 =	sadd.s32 $0x1F800, s7;
	[dreg:$0xa] =	wrdreg s26  }
0x17: {  	s7 =	simm.s32 $0xA;
	[dreg:$0xb] =	wrdreg s28;
	s20 =	simm.s32 $0x20  }
0x18: {  	s22 =	simm.s32 $0x2;
	s24 =	simm.s32 $0x3;
	s26 =	simm.s32 $0x4  }
.LBB2_1:
0x19: {  	[dreg:$0xe] =	wrdreg s0  }
0x1a: {  	s14 =	simm.s32 $0x0;
	s15 =	rddreg [dreg:$0x3];
	s25 =	simm.s32 $0x11  }
0x1b: {  	[tilespmem:s14], [sflag:$0x11] =	stream.linear.gather [hbm4b:s15+s14], $0x2000, $0x38;
	[tilespmem:$0xA000] =	vst v63  }
0x1c: {  	_ =	swait.ge [sflag:s25], $0x2000  }
0x1d: {  	[sflag:s25] =	ssyncset.done $0x0  }
0x1e: {  	s15 =	simm.s32 $0x2000;
	[sflag:s25] =	ssyncadd.s32 $0xFFFFE000  }
0x1f: {  	[tilespmem:s15], [sflag:$0x1] =	stream.indirect.gather [hbm4b:s3+s17], $0x20, s14, s17, $0xb8;
	[tilespmem:$0xA000] =	vst v63  }
0x20: {  	s16 =	simm.s32 $0x3000  }
0x21: {  	[tilespmem:s16], [sflag:$0x2] =	stream.indirect.gather [hbm4b:s3+s17], $0x20, s17, s17, $0xb8;
	[tilespmem:$0xA000] =	vst v63  }
0x22: {  	s28 =	simm.s32 $0x100;
	s19 =	simm.s32 $0x4000  }
0x23: {  	[tilespmem:s19], [sflag:$0x3] =	stream.indirect.gather [hbm4b:s3+s17], $0x20, s28, s17, $0xb8;
	[tilespmem:$0xA000] =	vst v63  }
0x24: {  	s30 =	simm.s32 $0x180;
	s21 =	simm.s32 $0x5000  }
0x25: {  	[tilespmem:s21], [sflag:$0x4] =	stream.indirect.gather [hbm4b:s3+s17], $0x20, s30, s17, $0xb8;
	[tilespmem:$0xA000] =	vst v63  }
0x26: {  	s0 =	simm.s32 $0x200;
	s23 =	simm.s32 $0x6000  }
0x27: {  	[tilespmem:s23], [sflag:$0x5] =	stream.indirect.gather [hbm4b:s3+s17], $0x20, s0, s17, $0xb8;
	[tilespmem:$0xA000] =	vst v63  }
0x28: {  	s1 =	simm.s32 $0x280;
	s25 =	simm.s32 $0x7000  }
0x29: {  	[tilespmem:s25], [sflag:$0x6] =	stream.indirect.gather [hbm4b:s3+s17], $0x20, s1, s17, $0xb8;
	[tilespmem:$0xA000] =	vst v63  }
0x2a: {  	s28 =	simm.s32 $0x8000;
	s1 =	simm.s32 $0x300  }
0x2b: {  	[tilespmem:s28], [sflag:$0x7] =	stream.indirect.gather [hbm4b:s3+s17], $0x20, s1, s17, $0xb8;
	[tilespmem:$0xA000] =	vst v63  }
0x2c: {  	s18 =	simm.s32 $0x380;
	s0 =	simm.s32 $0x1;
	s1 =	simm.s32 $0x9000  }
0x2d: {  	[tilespmem:s1], [sflag:$0x8] =	stream.indirect.gather [hbm4b:s3+s17], $0x20, s18, s17, $0xb8;
	[tilespmem:$0xA000] =	vst v63  }
0x2e: {  	_ =	swait.ge [sflag:s0], $0x1000  }
0x2f: {  	s18 =	rddreg [dreg:$0xd]  }
0x30: {  	s30 =	sadd.s32 $0xFFFF0000, s18  }
0x31: {  	[sflag:s0] =	ssyncset.done $0x0;
	s14 =	sshrl.u32 s30, $0x3  }
0x32: {  	[sflag:s0] =	ssyncadd.s32 $0xFFFFF000;
	s14 =	sadd.s32 s4, s14  }
0x33: {  	[hbm4b:s14+s20] =	stream.strided.scatter [tilespmem:s15], [sflag:$0x9], $0x1000, s17, s20, $0x38;
	[tilespmem:$0xA000] =	vst v63  }
0x34: {  	s0 =	sadd.s32 $0xFFFF4000, s18;
	_ =	swait.ge [sflag:s22], $0x1000  }
0x35: {  	s14 =	sshrl.u32 s0, $0x3;
	[sflag:s22] =	ssyncset.done $0x0  }
0x36: {  	s14 =	sadd.s32 s4, s14;
	[sflag:s22] =	ssyncadd.s32 $0xFFFFF000  }
0x37: {  	[hbm4b:s14+s20] =	stream.strided.scatter [tilespmem:s16], [sflag:$0xA], $0x1000, s17, s20, $0x38;
	[tilespmem:$0xA000] =	vst v63  }
0x38: {  	s30 =	sadd.s32 $0xFFFF8000, s18;
	_ =	swait.ge [sflag:s24], $0x1000  }
0x39: {  	s14 =	sshrl.u32 s30, $0x3;
	[sflag:s24] =	ssyncset.done $0x0  }
0x3a: {  	s14 =	sadd.s32 s4, s14;
	[sflag:s24] =	ssyncadd.s32 $0xFFFFF000  }
0x3b: {  	[hbm4b:s14+s20] =	stream.strided.scatter [tilespmem:s19], [sflag:$0xB], $0x1000, s17, s20, $0x38;
	[tilespmem:$0xA000] =	vst v63  }
0x3c: {  	s0 =	sadd.s32 $0xFFFFC000, s18;
	_ =	swait.ge [sflag:s26], $0x1000  }
0x3d: {  	s14 =	sshrl.u32 s0, $0x3;
	[sflag:s26] =	ssyncset.done $0x0  }
0x3e: {  	s14 =	sadd.s32 s4, s14;
	[sflag:s26] =	ssyncadd.s32 $0xFFFFF000  }
0x3f: {  	[hbm4b:s14+s20] =	stream.strided.scatter [tilespmem:s21], [sflag:$0xC], $0x1000, s17, s20, $0x38;
	[tilespmem:$0xA000] =	vst v63  }
0x40: {  	_ =	swait.ge [sflag:s29], $0x1000  }
0x41: {  	s30 =	sshrl.u32 s18, $0x3;
	[sflag:s29] =	ssyncset.done $0x0  }
0x42: {  	s14 =	sadd.s32 s4, s30;
	[sflag:s29] =	ssyncadd.s32 $0xFFFFF000  }
0x43: {  	[hbm4b:s14+s20] =	stream.strided.scatter [tilespmem:s23], [sflag:$0xD], $0x1000, s17, s20, $0x38;
	[tilespmem:$0xA000] =	vst v63  }
0x44: {  	s0 =	sadd.s32 $0x4000, s18;
	_ =	swait.ge [sflag:s31], $0x1000  }
0x45: {  	s14 =	sshrl.u32 s0, $0x3;
	[sflag:s31] =	ssyncset.done $0x0  }
0x46: {  	s14 =	sadd.s32 s4, s14;
	[sflag:s31] =	ssyncadd.s32 $0xFFFFF000  }
0x47: {  	[hbm4b:s14+s20] =	stream.strided.scatter [tilespmem:s25], [sflag:$0xE], $0x1000, s17, s20, $0x38;
	[tilespmem:$0xA000] =	vst v63  }
0x48: {  	s30 =	sadd.s32 $0x8000, s18;
	_ =	swait.ge [sflag:s2], $0x1000  }
0x49: {  	s14 =	sshrl.u32 s30, $0x3;
	[sflag:s2] =	ssyncset.done $0x0  }
0x4a: {  	s14 =	sadd.s32 s4, s14;
	[sflag:s2] =	ssyncadd.s32 $0xFFFFF000  }
0x4b: {  	[hbm4b:s14+s20] =	stream.strided.scatter [tilespmem:s28], [sflag:$0xF], $0x1000, s17, s20, $0x38;
	[tilespmem:$0xA000] =	vst v63  }
0x4c: {  	s0 =	sadd.s32 $0xC000, s18;
	_ =	swait.ge [sflag:s5], $0x1000  }
0x4d: {  	s14 =	sshrl.u32 s0, $0x3;
	[sflag:s5] =	ssyncset.done $0x0  }
0x4e: {  	s14 =	sadd.s32 s4, s14;
	[sflag:s5] =	ssyncadd.s32 $0xFFFFF000  }
0x4f: {  	[hbm4b:s14+s20] =	stream.strided.scatter [tilespmem:s1], [sflag:$0x10], $0x1000, s17, s20, $0x38;
	[tilespmem:$0xA000] =	vst v63  }
0x50: {  	_ =	swait.ge [sflag:s6], $0x1000  }
0x51: {  	[sflag:s6] =	ssyncset.done $0x0  }
0x52: {  	s1 =	simm.s32 $0x400;
	[sflag:s6] =	ssyncadd.s32 $0xFFFFF000  }
0x53: {  	[tilespmem:s15], [sflag:$0x1] =	stream.indirect.gather [hbm4b:s3+s17], $0x20, s1, s17, $0xb8;
	[tilespmem:$0xA000] =	vst v63  }
0x54: {  	_ =	swait.ge [sflag:s7], $0x1000  }
0x55: {  	[sflag:s7] =	ssyncset.done $0x0  }
0x56: {  	s15 =	simm.s32 $0x480;
	[sflag:s7] =	ssyncadd.s32 $0xFFFFF000  }
0x57: {  	[tilespmem:s16], [sflag:$0x2] =	stream.indirect.gather [hbm4b:s3+s17], $0x20, s15, s17, $0xb8;
	[tilespmem:$0xA000] =	vst v63  }
0x58: {  	_ =	swait.ge [sflag:s8], $0x1000  }
0x59: {  	[sflag:s8] =	ssyncset.done $0x0  }
0x5a: {  	s16 =	simm.s32 $0x500;
	[sflag:s8] =	ssyncadd.s32 $0xFFFFF000  }
0x5b: {  	[tilespmem:s19], [sflag:$0x3] =	stream.indirect.gather [hbm4b:s3+s17], $0x20, s16, s17, $0xb8;
	[tilespmem:$0xA000] =	vst v63  }
0x5c: {  	_ =	swait.ge [sflag:s9], $0x1000  }
0x5d: {  	[sflag:s9] =	ssyncset.done $0x0  }
0x5e: {  	s19 =	simm.s32 $0x580;
	[sflag:s9] =	ssyncadd.s32 $0xFFFFF000  }
0x5f: {  	[tilespmem:s21], [sflag:$0x4] =	stream.indirect.gather [hbm4b:s3+s17], $0x20, s19, s17, $0xb8;
	[tilespmem:$0xA000] =	vst v63  }
0x60: {  	_ =	swait.ge [sflag:s10], $0x1000  }
0x61: {  	[sflag:s10] =	ssyncset.done $0x0  }
0x62: {  	s21 =	simm.s32 $0x600;
	[sflag:s10] =	ssyncadd.s32 $0xFFFFF000  }
0x63: {  	[tilespmem:s23], [sflag:$0x5] =	stream.indirect.gather [hbm4b:s3+s17], $0x20, s21, s17, $0xb8;
	[tilespmem:$0xA000] =	vst v63  }
0x64: {  	_ =	swait.ge [sflag:s11], $0x1000  }
0x65: {  	[sflag:s11] =	ssyncset.done $0x0  }
0x66: {  	s23 =	simm.s32 $0x680;
	[sflag:s11] =	ssyncadd.s32 $0xFFFFF000  }
0x67: {  	[tilespmem:s25], [sflag:$0x6] =	stream.indirect.gather [hbm4b:s3+s17], $0x20, s23, s17, $0xb8;
	[tilespmem:$0xA000] =	vst v63  }
0x68: {  	_ =	swait.ge [sflag:s12], $0x1000  }
0x69: {  	[sflag:s12] =	ssyncset.done $0x0  }
0x6a: {  	s30 =	simm.s32 $0x700;
	[sflag:s12] =	ssyncadd.s32 $0xFFFFF000  }
0x6b: {  	[tilespmem:s28], [sflag:$0x7] =	stream.indirect.gather [hbm4b:s3+s17], $0x20, s30, s17, $0xb8;
	[tilespmem:$0xA000] =	vst v63  }
0x6c: {  	_ =	swait.ge [sflag:s13], $0x1000  }
0x6d: {  	s14 =	sadd.s32 $0x20000, s18;
	[sflag:s13] =	ssyncset.done $0x0  }
0x6e: {  	s15 =	simm.s32 $0x780;
	s16 =	simm.s32 $0x1000;
	[sflag:s13] =	ssyncadd.s32 $0xFFFFF000  }
.LBB2_2:
0x6f: {  	s21 =	simm.s32 $0x9000  }
0x70: {  	[tilespmem:s21], [sflag:$0x8] =	stream.indirect.gather [hbm4b:s3+s17], $0x20, s15, s17, $0xb8;
	[tilespmem:$0xA000] =	vst v63  }
0x71: {  	s0 =	simm.s32 $0x1;
	s15 =	smov.u32 s16  }
0x72: {  	s18 =	sadd.s32 $0xFFFF0000, s14;
	p0 =	sne.s32 s16, $0x6000;
	_ =	swait.ge [sflag:s0], $0x1000  }
0x73: {  	s18 =	sshrl.u32 s18, $0x3;
	s16 =	sadd.s32 $0x1000, s16;
	[sflag:s0] =	ssyncset.done $0x0  }
0x74: {  	s19 =	simm.s32 $0x2000;
	s18 =	sadd.s32 s4, s18;
	[sflag:s0] =	ssyncadd.s32 $0xFFFFF000  }
0x75: {  	[hbm4b:s18+s20] =	stream.strided.scatter [tilespmem:s19], [sflag:$0x9], $0x1000, s17, s20, $0x38;
	[tilespmem:$0xA000] =	vst v63  }
0x76: {  	s18 =	sadd.s32 $0xFFFF4000, s14;
	_ =	swait.ge [sflag:s22], $0x1000  }
0x77: {  	s18 =	sshrl.u32 s18, $0x3;
	[sflag:s22] =	ssyncset.done $0x0  }
0x78: {  	s23 =	simm.s32 $0x3000;
	s18 =	sadd.s32 s4, s18;
	[sflag:s22] =	ssyncadd.s32 $0xFFFFF000  }
0x79: {  	[hbm4b:s18+s20] =	stream.strided.scatter [tilespmem:s23], [sflag:$0xA], $0x1000, s17, s20, $0x38;
	[tilespmem:$0xA000] =	vst v63  }
0x7a: {  	s18 =	sadd.s32 $0xFFFF8000, s14;
	_ =	swait.ge [sflag:s24], $0x1000  }
0x7b: {  	s18 =	sshrl.u32 s18, $0x3;
	[sflag:s24] =	ssyncset.done $0x0  }
0x7c: {  	s25 =	simm.s32 $0x4000;
	s18 =	sadd.s32 s4, s18;
	[sflag:s24] =	ssyncadd.s32 $0xFFFFF000  }
0x7d: {  	[hbm4b:s18+s20] =	stream.strided.scatter [tilespmem:s25], [sflag:$0xB], $0x1000, s17, s20, $0x38;
	[tilespmem:$0xA000] =	vst v63  }
0x7e: {  	s18 =	sadd.s32 $0xFFFFC000, s14;
	_ =	swait.ge [sflag:s26], $0x1000  }
0x7f: {  	s18 =	sshrl.u32 s18, $0x3;
	[sflag:s26] =	ssyncset.done $0x0  }
0x80: {  	s28 =	simm.s32 $0x5000;
	s18 =	sadd.s32 s4, s18;
	[sflag:s26] =	ssyncadd.s32 $0xFFFFF000  }
0x81: {  	[hbm4b:s18+s20] =	stream.strided.scatter [tilespmem:s28], [sflag:$0xC], $0x1000, s17, s20, $0x38;
	[tilespmem:$0xA000] =	vst v63  }
0x82: {  	_ =	swait.ge [sflag:s29], $0x1000  }
0x83: {  	s18 =	sshrl.u32 s14, $0x3;
	[sflag:s29] =	ssyncset.done $0x0  }
0x84: {  	s30 =	simm.s32 $0x6000;
	s18 =	sadd.s32 s4, s18;
	[sflag:s29] =	ssyncadd.s32 $0xFFFFF000  }
0x85: {  	[hbm4b:s18+s20] =	stream.strided.scatter [tilespmem:s30], [sflag:$0xD], $0x1000, s17, s20, $0x38;
	[tilespmem:$0xA000] =	vst v63  }
0x86: {  	s18 =	sadd.s32 $0x4000, s14;
	_ =	swait.ge [sflag:s31], $0x1000  }
0x87: {  	s18 =	sshrl.u32 s18, $0x3;
	[sflag:s31] =	ssyncset.done $0x0  }
0x88: {  	s1 =	simm.s32 $0x7000;
	s18 =	sadd.s32 s4, s18;
	[sflag:s31] =	ssyncadd.s32 $0xFFFFF000  }
0x89: {  	[hbm4b:s18+s20] =	stream.strided.scatter [tilespmem:s1], [sflag:$0xE], $0x1000, s17, s20, $0x38;
	[tilespmem:$0xA000] =	vst v63  }
0x8a: {  	s18 =	sadd.s32 $0x8000, s14;
	_ =	swait.ge [sflag:s2], $0x1000  }
0x8b: {  	s18 =	sshrl.u32 s18, $0x3;
	[sflag:s2] =	ssyncset.done $0x0  }
0x8c: {  	s0 =	simm.s32 $0x8000;
	s18 =	sadd.s32 s4, s18;
	[sflag:s2] =	ssyncadd.s32 $0xFFFFF000  }
0x8d: {  	[hbm4b:s18+s20] =	stream.strided.scatter [tilespmem:s0], [sflag:$0xF], $0x1000, s17, s20, $0x38;
	[tilespmem:$0xA000] =	vst v63  }
0x8e: {  	s18 =	sadd.s32 $0xC000, s14;
	_ =	swait.ge [sflag:s5], $0x1000  }
0x8f: {  	s18 =	sshrl.u32 s18, $0x3;
	[sflag:s5] =	ssyncset.done $0x0  }
0x90: {  	s18 =	sadd.s32 s4, s18;
	[sflag:s5] =	ssyncadd.s32 $0xFFFFF000  }
0x91: {  	[hbm4b:s18+s20] =	stream.strided.scatter [tilespmem:s21], [sflag:$0x10], $0x1000, s17, s20, $0x38;
	[tilespmem:$0xA000] =	vst v63  }
0x92: {  	_ =	swait.ge [sflag:s6], $0x1000  }
0x93: {  	s15 =	sshra.s32 s15, $0x2;
	[sflag:s6] =	ssyncset.done $0x0  }
0x94: {  	s18 =	sadd.s32 $0x400, s15;
	s21 =	simm.s32 $0x2000;
	[sflag:s6] =	ssyncadd.s32 $0xFFFFF000  }
0x95: {  	[tilespmem:s19], [sflag:$0x1] =	stream.indirect.gather [hbm4b:s3+s17], $0x20, s18, s17, $0xb8;
	[tilespmem:$0xA000] =	vst v63  }
0x96: {  	_ =	swait.ge [sflag:s7], $0x1000  }
0x97: {  	[sflag:s7] =	ssyncset.done $0x0  }
0x98: {  	s18 =	sadd.s32 $0x480, s15;
	s19 =	simm.s32 $0x3000;
	[sflag:s7] =	ssyncadd.s32 $0xFFFFF000  }
0x99: {  	[tilespmem:s23], [sflag:$0x2] =	stream.indirect.gather [hbm4b:s3+s17], $0x20, s18, s17, $0xb8;
	[tilespmem:$0xA000] =	vst v63  }
0x9a: {  	_ =	swait.ge [sflag:s8], $0x1000  }
0x9b: {  	[sflag:s8] =	ssyncset.done $0x0  }
0x9c: {  	s18 =	sadd.s32 $0x500, s15;
	s23 =	simm.s32 $0x4000;
	[sflag:s8] =	ssyncadd.s32 $0xFFFFF000  }
0x9d: {  	[tilespmem:s25], [sflag:$0x3] =	stream.indirect.gather [hbm4b:s3+s17], $0x20, s18, s17, $0xb8;
	[tilespmem:$0xA000] =	vst v63  }
0x9e: {  	_ =	swait.ge [sflag:s9], $0x1000  }
0x9f: {  	[sflag:s9] =	ssyncset.done $0x0  }
0xa0: {  	s18 =	sadd.s32 $0x580, s15;
	s25 =	simm.s32 $0x5000;
	[sflag:s9] =	ssyncadd.s32 $0xFFFFF000  }
0xa1: {  	[tilespmem:s28], [sflag:$0x4] =	stream.indirect.gather [hbm4b:s3+s17], $0x20, s18, s17, $0xb8;
	[tilespmem:$0xA000] =	vst v63  }
0xa2: {  	_ =	swait.ge [sflag:s10], $0x1000  }
0xa3: {  	[sflag:s10] =	ssyncset.done $0x0  }
0xa4: {  	s18 =	sadd.s32 $0x600, s15;
	s28 =	simm.s32 $0x6000;
	[sflag:s10] =	ssyncadd.s32 $0xFFFFF000  }
0xa5: {  	[tilespmem:s30], [sflag:$0x5] =	stream.indirect.gather [hbm4b:s3+s17], $0x20, s18, s17, $0xb8;
	[tilespmem:$0xA000] =	vst v63  }
0xa6: {  	_ =	swait.ge [sflag:s11], $0x1000  }
0xa7: {  	[sflag:s11] =	ssyncset.done $0x0  }
0xa8: {  	s18 =	sadd.s32 $0x680, s15;
	s30 =	simm.s32 $0x7000;
	[sflag:s11] =	ssyncadd.s32 $0xFFFFF000  }
0xa9: {  	[tilespmem:s1], [sflag:$0x6] =	stream.indirect.gather [hbm4b:s3+s17], $0x20, s18, s17, $0xb8;
	[tilespmem:$0xA000] =	vst v63  }
0xaa: {  	_ =	swait.ge [sflag:s12], $0x1000  }
0xab: {  	s18 =	sadd.s32 $0x700, s15;
	[sflag:s12] =	ssyncset.done $0x0  }
.Ltmp0:
0xac: {  	s1 =	simm.s32 $0x8000;
	[sflag:s12] =	ssyncadd.s32 $0xFFFFF000;
	(pc) =	sbr.rel @p0 .LBB2_2-.Ltmp0, $4  }
0xad: {  	[tilespmem:s0], [sflag:$0x7] =	stream.indirect.gather [hbm4b:s3+s17], $0x20, s18, s17, $0xb8;
	[tilespmem:$0xA000] =	vst v63  }
0xae: {  	_ =	swait.ge [sflag:s13], $0x1000  }
0xaf: {  	[sflag:s13] =	ssyncset.done $0x0  }
0xb0: {  	s14 =	sadd.s32 $0x20000, s14;
	s15 =	sadd.s32 $0x780, s15;
	[sflag:s13] =	ssyncadd.s32 $0xFFFFF000  }
0xb1: {  	s0 =	simm.s32 $0x9000;
	s14 =	simm.s32 $0x1  }
0xb2: {  	[tilespmem:s0], [sflag:$0x8] =	stream.indirect.gather [hbm4b:s3+s17], $0x20, s15, s17, $0xb8;
	[tilespmem:$0xA000] =	vst v63  }
0xb3: {  	_ =	swait.ge [sflag:s14], $0x1000  }
0xb4: {  	[sflag:s14] =	ssyncset.done $0x0  }
0xb5: {  	s18 =	rddreg [dreg:$0x4];
	[sflag:s14] =	ssyncadd.s32 $0xFFFFF000  }
0xb6: {  	[hbm4b:s18+s20] =	stream.strided.scatter [tilespmem:s21], [sflag:$0x9], $0x1000, s17, s20, $0x38;
	[tilespmem:$0xA000] =	vst v63  }
0xb7: {  	_ =	swait.ge [sflag:s22], $0x1000  }
0xb8: {  	[sflag:s22] =	ssyncset.done $0x0  }
0xb9: {  	s15 =	rddreg [dreg:$0x5];
	[sflag:s22] =	ssyncadd.s32 $0xFFFFF000  }
0xba: {  	[hbm4b:s15+s20] =	stream.strided.scatter [tilespmem:s19], [sflag:$0xA], $0x1000, s17, s20, $0x38;
	[tilespmem:$0xA000] =	vst v63  }
0xbb: {  	_ =	swait.ge [sflag:s24], $0x1000  }
0xbc: {  	[sflag:s24] =	ssyncset.done $0x0  }
0xbd: {  	s16 =	rddreg [dreg:$0x6];
	[sflag:s24] =	ssyncadd.s32 $0xFFFFF000  }
0xbe: {  	[hbm4b:s16+s20] =	stream.strided.scatter [tilespmem:s23], [sflag:$0xB], $0x1000, s17, s20, $0x38;
	[tilespmem:$0xA000] =	vst v63  }
0xbf: {  	_ =	swait.ge [sflag:s26], $0x1000  }
0xc0: {  	[sflag:s26] =	ssyncset.done $0x0  }
0xc1: {  	s18 =	rddreg [dreg:$0x7];
	[sflag:s26] =	ssyncadd.s32 $0xFFFFF000  }
0xc2: {  	[hbm4b:s18+s20] =	stream.strided.scatter [tilespmem:s25], [sflag:$0xC], $0x1000, s17, s20, $0x38;
	[tilespmem:$0xA000] =	vst v63  }
0xc3: {  	_ =	swait.ge [sflag:s29], $0x1000  }
0xc4: {  	[sflag:s29] =	ssyncset.done $0x0  }
0xc5: {  	s19 =	rddreg [dreg:$0x8];
	[sflag:s29] =	ssyncadd.s32 $0xFFFFF000  }
0xc6: {  	[hbm4b:s19+s20] =	stream.strided.scatter [tilespmem:s28], [sflag:$0xD], $0x1000, s17, s20, $0x38;
	[tilespmem:$0xA000] =	vst v63  }
0xc7: {  	_ =	swait.ge [sflag:s31], $0x1000  }
0xc8: {  	[sflag:s31] =	ssyncset.done $0x0  }
0xc9: {  	s21 =	rddreg [dreg:$0x9];
	[sflag:s31] =	ssyncadd.s32 $0xFFFFF000  }
0xca: {  	[hbm4b:s21+s20] =	stream.strided.scatter [tilespmem:s30], [sflag:$0xE], $0x1000, s17, s20, $0x38;
	[tilespmem:$0xA000] =	vst v63  }
0xcb: {  	_ =	swait.ge [sflag:s2], $0x1000  }
0xcc: {  	[sflag:s2] =	ssyncset.done $0x0  }
0xcd: {  	s23 =	rddreg [dreg:$0xa];
	[sflag:s2] =	ssyncadd.s32 $0xFFFFF000  }
0xce: {  	[hbm4b:s23+s20] =	stream.strided.scatter [tilespmem:s1], [sflag:$0xF], $0x1000, s17, s20, $0x38;
	[tilespmem:$0xA000] =	vst v63  }
0xcf: {  	_ =	swait.ge [sflag:s5], $0x1000  }
0xd0: {  	[sflag:s5] =	ssyncset.done $0x0  }
0xd1: {  	s25 =	rddreg [dreg:$0xb];
	[sflag:s5] =	ssyncadd.s32 $0xFFFFF000  }
0xd2: {  	[hbm4b:s25+s20] =	stream.strided.scatter [tilespmem:s0], [sflag:$0x10], $0x1000, s17, s20, $0x38;
	[tilespmem:$0xA000] =	vst v63  }
0xd3: {  	_ =	swait.ge [sflag:s6], $0x1000  }
0xd4: {  	[sflag:s6] =	ssyncset.done $0x0  }
0xd5: {  	[sflag:s6] =	ssyncadd.s32 $0xFFFFF000  }
0xd6: {  	_ =	swait.ge [sflag:s7], $0x1000  }
0xd7: {  	[sflag:s7] =	ssyncset.done $0x0  }
0xd8: {  	[sflag:s7] =	ssyncadd.s32 $0xFFFFF000  }
0xd9: {  	_ =	swait.ge [sflag:s8], $0x1000  }
0xda: {  	[sflag:s8] =	ssyncset.done $0x0  }
0xdb: {  	[sflag:s8] =	ssyncadd.s32 $0xFFFFF000  }
0xdc: {  	_ =	swait.ge [sflag:s9], $0x1000  }
0xdd: {  	[sflag:s9] =	ssyncset.done $0x0  }
0xde: {  	[sflag:s9] =	ssyncadd.s32 $0xFFFFF000  }
0xdf: {  	_ =	swait.ge [sflag:s10], $0x1000  }
0xe0: {  	[sflag:s10] =	ssyncset.done $0x0  }
0xe1: {  	[sflag:s10] =	ssyncadd.s32 $0xFFFFF000  }
0xe2: {  	_ =	swait.ge [sflag:s11], $0x1000  }
0xe3: {  	[sflag:s11] =	ssyncset.done $0x0  }
0xe4: {  	[sflag:s11] =	ssyncadd.s32 $0xFFFFF000  }
0xe5: {  	_ =	swait.ge [sflag:s12], $0x1000  }
0xe6: {  	[sflag:s12] =	ssyncset.done $0x0  }
0xe7: {  	[sflag:s12] =	ssyncadd.s32 $0xFFFFF000  }
0xe8: {  	_ =	swait.ge [sflag:s13], $0x1000  }
0xe9: {  	s28 =	rddreg [dreg:$0xe]  }
0xea: {  	s30 =	rddreg [dreg:$0xc];
	s0 =	sadd.s32 $0x1, s28  }
0xeb: {  	p0 =	sne.s32 s0, s30  }
.Ltmp1:
0xec: {  	_ = 	snop;
	(pc) =	sbr.rel @p0 .LBB2_1-.Ltmp1, $3  }
0xed: {  	_ =	sdelay $0x1  }
0xee: {  	[sflag:s13] =	ssyncset.done $0x0  }
0xef: {  	[sflag:s13] =	ssyncadd.s32 $0xFFFFF000  }
0xf0: {  	_ =	sfence.sel $0x180000  }
0xf1: {  	[bflag:$0x0] =	sbarrier.arrive $0xFFFF  }
0xf2: {  	_ =	strace $0x90000047  }
0xf3: {  	s0 =	stileid.u32;
	[bflag:$0x2] =	sbarrier.arrive $0xFFFF  }
0xf4: {  	p0 =	sne.s32 s0, $0x0;
	s0 =	rddreg [dreg:$0x2]  }
0xf5: {  	s0 =	sadd.s32 @!p0 $0x100000, s0  }
0xf6: {  	[sflag:s0] =	ssyncadd.tile.s32 @!p0 $0x1;
	_ =	shalt  }
.Lfunc_end2:
_tile_overlayer_lowered:
.L_overlay_start_2:
0xf7: {  	(tag) =	ssettag $0x2  }
0xf8: {  	s0 =	rddreg [dreg:$0x0];
	s2 =	stileid.u32  }
0xf9: {  	s1 =	rddreg [dreg:$0x1];
	p0 =	sne.s32 s2, $0x0  }
0xfa: {  	s3 =	rddreg [dreg:$0x2];
	[bflag:$0x3] =	sbarrier.arrive $0xFFFF;
	s2 =	simm.s32 @!p0 $0x1C11  }
0xfb: {  	[timem:s3], [sflag:s2] =	dma.local @!p0 [hbm:s0], s1  }
0xfc: {  	s0 =	simm.s32 @!p0 $0x11  }
0xfd: {  	_ =	swait.ge @!p0 [sflag:s0], s1  }
0xfe: {  	s1 =	ssub.s32 @!p0 $0x0, s1;
	[sflag:s0] =	ssyncset.done @!p0 $0x0  }
0xff: {  	[sflag:s0] =	ssyncadd.s32 @!p0 s1  }
0x100: {  	[bflag:$0x3] =	sbarrier.arrive $0xFFFF  }
0x101: {  	_ =	shalt  }

</sc_bundles>
